<compile_context>
chip_gen: v7x
topology: tpu7x:2x2x1
jax: 0.10.2.dev20260603
libtpu: 0.0.44.dev20260713+nightly
codegen_flags: <defaults>
</compile_context>

<pallas_src>
import functools

import jax
import jax.numpy as jnp
from jax import lax
from jax.experimental import pallas as pl
from jax.experimental.pallas import tpu as pltpu
from jax.experimental.pallas import tpu_sc as plsc

_PREFIX = 2048
_NTILE = 1
_NSP = 2
_CROWS = 16


def _make_sc_copy(b, s, d):
    info = plsc.get_sparse_core_info()
    nc, ns = info.num_cores, info.num_subcores
    nw = nc * ns
    rows_per_w = _PREFIX * b // nw
    w_per_b = nw // b
    nch = rows_per_w // _CROWS
    nbuf = _NTILE + _NSP
    lookahead = nbuf - 1

    mesh = plsc.VectorSubcoreMesh(core_axis_name="c", subcore_axis_name="s")

    @functools.partial(
        pl.kernel,
        mesh=mesh,
        out_type=jax.ShapeDtypeStruct((b, _PREFIX, d), jnp.float32),
        scratch_types=(
            [pltpu.VMEM((_CROWS, d), jnp.float32)] * _NTILE
            + [pltpu.VMEM_SHARED((ns, _CROWS, d), jnp.float32)] * _NSP
            + [pltpu.SemaphoreType.DMA] * (2 * (_NTILE + _NSP))
        ),
    )
    def sc_copy(x_hbm, out_hbm, *scratch):
        sid = lax.axis_index("s")
        bufs = [scratch[k] for k in range(_NTILE)]
        bufs += [scratch[_NTILE + k].at[sid] for k in range(_NSP)]
        in_sems = scratch[nbuf : 2 * nbuf]
        out_sems = scratch[2 * nbuf :]
        wid = sid * nc + lax.axis_index("c")
        bi = wid // w_per_b
        r0 = (wid % w_per_b) * rows_per_w

        def start_gather(i):
            slot = i % nbuf
            return pltpu.async_copy(
                x_hbm.at[bi, pl.ds(r0 + i * _CROWS, _CROWS), :],
                bufs[slot],
                in_sems[slot],
            )

        def start_scatter(i):
            slot = i % nbuf
            return pltpu.async_copy(
                bufs[slot],
                out_hbm.at[bi, pl.ds(r0 + i * _CROWS, _CROWS), :],
                out_sems[slot],
            )

        hout = [None] * nbuf
        hin = [None] * nbuf
        for j in range(min(lookahead, nch)):
            hin[j % nbuf] = start_gather(j)
        for i in range(nch):
            slot = i % nbuf
            hin[slot].wait()
            hout[slot] = start_scatter(i)
            j = i + lookahead
            if j < nch:
                sj = j % nbuf
                if hout[sj] is not None:
                    hout[sj].wait()
                    hout[sj] = None
                hin[sj] = start_gather(j)
        for slot in range(nbuf):
            if hout[slot] is not None:
                hout[slot].wait()

    return sc_copy


def kernel(input_tensor, dim, prefix_len):
    b, s, d = input_tensor.shape
    return _make_sc_copy(b, s, d)(input_tensor)

# --- scband reference (transcript-rebuilt; emitter-appended) ---
"""Pipeline reference for scband-short-cut-gather-module-37469294690921 (READ-ONLY COPY).

The authoritative reference and input builder live on the scoring server;
editing this copy changes nothing except your own understanding.
"""

import jax, jax.numpy as jnp
import numpy as np


def setup_inputs(seed: int = 0) -> dict:
    key = jax.random.key(seed)
    input_tensor = jax.random.normal(key, (4, 8192, 2048), dtype=jnp.float32)
    return {"input_tensor": input_tensor, "dim": 1, "prefix_len": 2048}


def reference(input_tensor, dim, prefix_len):
    # shortcut_gather: gather the first `prefix_len` entries along `dim`
    # (a 'shortcut' gather where indices are the contiguous prefix 0..prefix_len-1).
    if not 1 < input_tensor.ndim < 4:
        raise NotImplementedError('input must be 2d or 3d')
    idx = jnp.arange(2048) + (prefix_len - 2048) * 0 + (dim - 1) * 0
    return jnp.take(input_tensor, idx, axis=1)

if __name__ == "__main__":
    import jax
    _d = setup_inputs()
    print(jax.jit(kernel)(*tuple(_d.values())))

</pallas_src>

<mosaic_0001>
#map = affine_map<(d0, d1) -> (0, 0, 0)>
module attributes {stable_mosaic.version = 14 : i64} {
  func.func @sc_copy(%arg0: i32, %arg1: i32, %arg2: memref<4x8192x2048xf32, #tpu.memory_space<hbm>>, %arg3: memref<4x2048x2048xf32, #tpu.memory_space<hbm>>, %arg4: memref<16x2048xf32, #tpu.memory_space<vmem>>, %arg5: memref<16x16x2048xf32, #tpu.memory_space<vmem_shared>>, %arg6: memref<16x16x2048xf32, #tpu.memory_space<vmem_shared>>, %arg7: memref<!tpu.dma_semaphore, #tpu.memory_space<semaphore_mem>>, %arg8: memref<!tpu.dma_semaphore, #tpu.memory_space<semaphore_mem>>, %arg9: memref<!tpu.dma_semaphore, #tpu.memory_space<semaphore_mem>>, %arg10: memref<!tpu.dma_semaphore, #tpu.memory_space<semaphore_mem>>, %arg11: memref<!tpu.dma_semaphore, #tpu.memory_space<semaphore_mem>>, %arg12: memref<!tpu.dma_semaphore, #tpu.memory_space<semaphore_mem>>) attributes {dimension_semantics = [#tpu.dimension_semantics<core_parallel>, #tpu.dimension_semantics<subcore_parallel>], iteration_bounds = array<i64: 2, 16>, scalar_prefetch = 0 : i64, scratch_operands = 9 : i64, tpu.core_type = #tpu.core_type<sc_vector_subcore>, window_params = [{transform_indices = #map}, {transform_indices = #map}]} {
    %mul3A = arith.constant 2 : i32
    %mul3A_0 = arith.muli %arg1, %mul3A : i32
    %add3A = arith.addi %mul3A_0, %arg0 : i32
    %jit3A = arith.constant 8 : i32
    %div3A = arith.divsi %add3A, %jit3A : i32
    %sign3A = arith.constant 0 : i32
    %sign3A_1 = arith.cmpi sgt, %add3A, %sign3A : i32
    %sign3A_2 = arith.extui %sign3A_1 : i1 to i32
    %sign3A_3 = arith.constant 0 : i32
    %sign3A_4 = arith.cmpi slt, %add3A, %sign3A_3 : i32
    %sign3A_5 = arith.extui %sign3A_4 : i1 to i32
    %sign3A_6 = arith.subi %sign3A_2, %sign3A_5 : i32
    %sign3A_7 = arith.constant 0 : i32
    %sign3A_8 = arith.cmpi sgt, %jit3A, %sign3A_7 : i32
    %sign3A_9 = arith.extui %sign3A_8 : i1 to i32
    %sign3A_10 = arith.constant 0 : i32
    %sign3A_11 = arith.cmpi slt, %jit3A, %sign3A_10 : i32
    %sign3A_12 = arith.extui %sign3A_11 : i1 to i32
    %sign3A_13 = arith.subi %sign3A_9, %sign3A_12 : i32
    %ne3A = arith.cmpi ne, %sign3A_6, %sign3A_13 : i32
    %rem3A = arith.remsi %add3A, %jit3A : i32
    %ne3A_14 = arith.constant 0 : i32
    %ne3A_15 = arith.cmpi ne, %rem3A, %ne3A_14 : i32
    %and3A = arith.andi %ne3A, %ne3A_15 : i1
    %sub3A = arith.constant 1 : i32
    %sub3A_16 = arith.subi %div3A, %sub3A : i32
    %select_n3A = arith.select %and3A, %sub3A_16, %div3A : i32
    %jit3A_17 = arith.constant 8 : i32
    %eq3A = arith.constant 0 : i32
    %eq3A_18 = arith.cmpi eq, %jit3A_17, %eq3A : i32
    %jit3A_19 = arith.constant 1 : i32
    %select_n3A_20 = arith.select %eq3A_18, %jit3A_19, %jit3A_17 : i32
    %rem3A_21 = arith.remsi %add3A, %select_n3A_20 : i32
    %ne3A_22 = arith.constant 0 : i32
    %ne3A_23 = arith.cmpi ne, %rem3A_21, %ne3A_22 : i32
    %lt3A = arith.constant 0 : i32
    %lt3A_24 = arith.cmpi slt, %rem3A_21, %lt3A : i32
    %lt3A_25 = arith.constant 0 : i32
    %lt3A_26 = arith.cmpi slt, %select_n3A_20, %lt3A_25 : i32
    %ne3A_27 = arith.xori %lt3A_24, %lt3A_26 : i1
    %and3A_28 = arith.andi %ne3A_27, %ne3A_23 : i1
    %add3A_29 = arith.addi %rem3A_21, %select_n3A_20 : i32
    %select_n3A_30 = arith.select %and3A_28, %add3A_29, %rem3A_21 : i32
    %mul3A_31 = arith.constant 256 : i32
    %mul3A_32 = arith.muli %select_n3A_30, %mul3A_31 : i32
    %add3A_33 = arith.constant 0 : i32
    %add3A_34 = arith.addi %mul3A_32, %add3A_33 : i32
    %dma_start3A = arith.constant 0 : i32
    %dma_start3A_35 = tpu.memref_slice %arg2[%select_n3A, %add3A_34, %dma_start3A] : memref<4x8192x2048xf32, #tpu.memory_space<hbm>> -> memref<1x16x2048xf32, #tpu.memory_space<hbm>>
    %dma_start3A_36 = tpu.memref_squeeze %dma_start3A_35 : memref<1x16x2048xf32, #tpu.memory_space<hbm>> -> memref<16x2048xf32, #tpu.memory_space<hbm>>
    %dma_start3A_37 = arith.constant 0 : i32
    %dma_start3A_38 = tpu.memref_slice %arg2[%select_n3A, %add3A_34, %dma_start3A_37] : memref<4x8192x2048xf32, #tpu.memory_space<hbm>> -> memref<1x16x2048xf32, #tpu.memory_space<hbm>>
    %dma_start3A_39 = tpu.memref_squeeze %dma_start3A_38 : memref<1x16x2048xf32, #tpu.memory_space<hbm>> -> memref<16x2048xf32, #tpu.memory_space<hbm>>
    tpu.enqueue_dma source(%dma_start3A_39 : memref<16x2048xf32, #tpu.memory_space<hbm>>) target(%arg4 : memref<16x2048xf32, #tpu.memory_space<vmem>>) target_semaphore(%arg7 : memref<!tpu.dma_semaphore, #tpu.memory_space<semaphore_mem>>)
    %add3A_40 = arith.constant 16 : i32
    %add3A_41 = arith.addi %mul3A_32, %add3A_40 : i32
    %dma_start3A_42 = arith.constant 0 : i32
    %dma_start3A_43 = arith.constant 0 : i32
    %dma_start3A_44 = tpu.memref_slice %arg5[%arg1, %dma_start3A_42, %dma_start3A_43] : memref<16x16x2048xf32, #tpu.memory_space<vmem_shared>> -> memref<1x16x2048xf32, #tpu.memory_space<vmem_shared>>
    %dma_start3A_45 = tpu.memref_squeeze %dma_start3A_44 : memref<1x16x2048xf32, #tpu.memory_space<vmem_shared>> -> memref<16x2048xf32, #tpu.memory_space<vmem_shared>>
    %dma_start3A_46 = arith.constant 0 : i32
    %dma_start3A_47 = tpu.memref_slice %arg2[%select_n3A, %add3A_41, %dma_start3A_46] : memref<4x8192x2048xf32, #tpu.memory_space<hbm>> -> memref<1x16x2048xf32, #tpu.memory_space<hbm>>
    %dma_start3A_48 = tpu.memref_squeeze %dma_start3A_47 : memref<1x16x2048xf32, #tpu.memory_space<hbm>> -> memref<16x2048xf32, #tpu.memory_space<hbm>>
    tpu.enqueue_dma source(%dma_start3A_48 : memref<16x2048xf32, #tpu.memory_space<hbm>>) target(%dma_start3A_45 : memref<16x2048xf32, #tpu.memory_space<vmem_shared>>) target_semaphore(%arg8 : memref<!tpu.dma_semaphore, #tpu.memory_space<semaphore_mem>>)
    %dma_wait3A = arith.constant 0 : i32
    %dma_wait3A_49 = tpu.memref_slice %arg2[%select_n3A, %add3A_34, %dma_wait3A] : memref<4x8192x2048xf32, #tpu.memory_space<hbm>> -> memref<1x16x2048xf32, #tpu.memory_space<hbm>>
    %dma_wait3A_50 = tpu.memref_squeeze %dma_wait3A_49 : memref<1x16x2048xf32, #tpu.memory_space<hbm>> -> memref<16x2048xf32, #tpu.memory_space<hbm>>
    %dma_wait3A_51 = arith.constant 0 : i32
    %dma_wait3A_52 = tpu.memref_slice %arg2[%select_n3A, %add3A_34, %dma_wait3A_51] : memref<4x8192x2048xf32, #tpu.memory_space<hbm>> -> memref<1x16x2048xf32, #tpu.memory_space<hbm>>
    %dma_wait3A_53 = tpu.memref_squeeze %dma_wait3A_52 : memref<1x16x2048xf32, #tpu.memory_space<hbm>> -> memref<16x2048xf32, #tpu.memory_space<hbm>>
    tpu.wait_dma2 semaphore(%arg7 : memref<!tpu.dma_semaphore, #tpu.memory_space<semaphore_mem>>) src(%dma_wait3A_53 : memref<16x2048xf32, #tpu.memory_space<hbm>>) dst(%arg4 : memref<16x2048xf32, #tpu.memory_space<vmem>>)
    %add3A_54 = arith.constant 0 : i32
    %add3A_55 = arith.addi %mul3A_32, %add3A_54 : i32
    %dma_start3A_56 = arith.constant 0 : i32
    %dma_start3A_57 = tpu.memref_slice %arg3[%select_n3A, %add3A_55, %dma_start3A_56] : memref<4x2048x2048xf32, #tpu.memory_space<hbm>> -> memref<1x16x2048xf32, #tpu.memory_space<hbm>>
    %dma_start3A_58 = tpu.memref_squeeze %dma_start3A_57 : memref<1x16x2048xf32, #tpu.memory_space<hbm>> -> memref<16x2048xf32, #tpu.memory_space<hbm>>
    %dma_start3A_59 = arith.constant 0 : i32
    %dma_start3A_60 = tpu.memref_slice %arg3[%select_n3A, %add3A_55, %dma_start3A_59] : memref<4x2048x2048xf32, #tpu.memory_space<hbm>> -> memref<1x16x2048xf32, #tpu.memory_space<hbm>>
    %dma_start3A_61 = tpu.memref_squeeze %dma_start3A_60 : memref<1x16x2048xf32, #tpu.memory_space<hbm>> -> memref<16x2048xf32, #tpu.memory_space<hbm>>
    tpu.enqueue_dma source(%arg4 : memref<16x2048xf32, #tpu.memory_space<vmem>>) target(%dma_start3A_61 : memref<16x2048xf32, #tpu.memory_space<hbm>>) target_semaphore(%arg10 : memref<!tpu.dma_semaphore, #tpu.memory_space<semaphore_mem>>)
    %add3A_62 = arith.constant 32 : i32
    %add3A_63 = arith.addi %mul3A_32, %add3A_62 : i32
    %dma_start3A_64 = arith.constant 0 : i32
    %dma_start3A_65 = arith.constant 0 : i32
    %dma_start3A_66 = tpu.memref_slice %arg6[%arg1, %dma_start3A_64, %dma_start3A_65] : memref<16x16x2048xf32, #tpu.memory_space<vmem_shared>> -> memref<1x16x2048xf32, #tpu.memory_space<vmem_shared>>
    %dma_start3A_67 = tpu.memref_squeeze %dma_start3A_66 : memref<1x16x2048xf32, #tpu.memory_space<vmem_shared>> -> memref<16x2048xf32, #tpu.memory_space<vmem_shared>>
    %dma_start3A_68 = arith.constant 0 : i32
    %dma_start3A_69 = tpu.memref_slice %arg2[%select_n3A, %add3A_63, %dma_start3A_68] : memref<4x8192x2048xf32, #tpu.memory_space<hbm>> -> memref<1x16x2048xf32, #tpu.memory_space<hbm>>
    %dma_start3A_70 = tpu.memref_squeeze %dma_start3A_69 : memref<1x16x2048xf32, #tpu.memory_space<hbm>> -> memref<16x2048xf32, #tpu.memory_space<hbm>>
    tpu.enqueue_dma source(%dma_start3A_70 : memref<16x2048xf32, #tpu.memory_space<hbm>>) target(%dma_start3A_67 : memref<16x2048xf32, #tpu.memory_space<vmem_shared>>) target_semaphore(%arg9 : memref<!tpu.dma_semaphore, #tpu.memory_space<semaphore_mem>>)
    %dma_wait3A_71 = arith.constant 0 : i32
    %dma_wait3A_72 = arith.constant 0 : i32
    %dma_wait3A_73 = tpu.memref_slice %arg5[%arg1, %dma_wait3A_71, %dma_wait3A_72] : memref<16x16x2048xf32, #tpu.memory_space<vmem_shared>> -> memref<1x16x2048xf32, #tpu.memory_space<vmem_shared>>
    %dma_wait3A_74 = tpu.memref_squeeze %dma_wait3A_73 : memref<1x16x2048xf32, #tpu.memory_space<vmem_shared>> -> memref<16x2048xf32, #tpu.memory_space<vmem_shared>>
    %dma_wait3A_75 = arith.constant 0 : i32
    %dma_wait3A_76 = tpu.memref_slice %arg2[%select_n3A, %add3A_41, %dma_wait3A_75] : memref<4x8192x2048xf32, #tpu.memory_space<hbm>> -> memref<1x16x2048xf32, #tpu.memory_space<hbm>>
    %dma_wait3A_77 = tpu.memref_squeeze %dma_wait3A_76 : memref<1x16x2048xf32, #tpu.memory_space<hbm>> -> memref<16x2048xf32, #tpu.memory_space<hbm>>
    tpu.wait_dma2 semaphore(%arg8 : memref<!tpu.dma_semaphore, #tpu.memory_space<semaphore_mem>>) src(%dma_wait3A_77 : memref<16x2048xf32, #tpu.memory_space<hbm>>) dst(%dma_wait3A_74 : memref<16x2048xf32, #tpu.memory_space<vmem_shared>>)
    %add3A_78 = arith.constant 16 : i32
    %add3A_79 = arith.addi %mul3A_32, %add3A_78 : i32
    %dma_start3A_80 = arith.constant 0 : i32
    %dma_start3A_81 = tpu.memref_slice %arg3[%select_n3A, %add3A_79, %dma_start3A_80] : memref<4x2048x2048xf32, #tpu.memory_space<hbm>> -> memref<1x16x2048xf32, #tpu.memory_space<hbm>>
    %dma_start3A_82 = tpu.memref_squeeze %dma_start3A_81 : memref<1x16x2048xf32, #tpu.memory_space<hbm>> -> memref<16x2048xf32, #tpu.memory_space<hbm>>
    %dma_start3A_83 = arith.constant 0 : i32
    %dma_start3A_84 = arith.constant 0 : i32
    %dma_start3A_85 = tpu.memref_slice %arg5[%arg1, %dma_start3A_83, %dma_start3A_84] : memref<16x16x2048xf32, #tpu.memory_space<vmem_shared>> -> memref<1x16x2048xf32, #tpu.memory_space<vmem_shared>>
    %dma_start3A_86 = tpu.memref_squeeze %dma_start3A_85 : memref<1x16x2048xf32, #tpu.memory_space<vmem_shared>> -> memref<16x2048xf32, #tpu.memory_space<vmem_shared>>
    tpu.enqueue_dma source(%dma_start3A_86 : memref<16x2048xf32, #tpu.memory_space<vmem_shared>>) target(%dma_start3A_82 : memref<16x2048xf32, #tpu.memory_space<hbm>>) target_semaphore(%arg11 : memref<!tpu.dma_semaphore, #tpu.memory_space<semaphore_mem>>)
    %dma_wait3A_87 = arith.constant 0 : i32
    %dma_wait3A_88 = tpu.memref_slice %arg3[%select_n3A, %add3A_55, %dma_wait3A_87] : memref<4x2048x2048xf32, #tpu.memory_space<hbm>> -> memref<1x16x2048xf32, #tpu.memory_space<hbm>>
    %dma_wait3A_89 = tpu.memref_squeeze %dma_wait3A_88 : memref<1x16x2048xf32, #tpu.memory_space<hbm>> -> memref<16x2048xf32, #tpu.memory_space<hbm>>
    %dma_wait3A_90 = arith.constant 0 : i32
    %dma_wait3A_91 = tpu.memref_slice %arg3[%select_n3A, %add3A_55, %dma_wait3A_90] : memref<4x2048x2048xf32, #tpu.memory_space<hbm>> -> memref<1x16x2048xf32, #tpu.memory_space<hbm>>
    %dma_wait3A_92 = tpu.memref_squeeze %dma_wait3A_91 : memref<1x16x2048xf32, #tpu.memory_space<hbm>> -> memref<16x2048xf32, #tpu.memory_space<hbm>>
    tpu.wait_dma2 semaphore(%arg10 : memref<!tpu.dma_semaphore, #tpu.memory_space<semaphore_mem>>) src(%arg4 : memref<16x2048xf32, #tpu.memory_space<vmem>>) dst(%dma_wait3A_92 : memref<16x2048xf32, #tpu.memory_space<hbm>>)
    %add3A_93 = arith.constant 48 : i32
    %add3A_94 = arith.addi %mul3A_32, %add3A_93 : i32
    %dma_start3A_95 = arith.constant 0 : i32
    %dma_start3A_96 = tpu.memref_slice %arg2[%select_n3A, %add3A_94, %dma_start3A_95] : memref<4x8192x2048xf32, #tpu.memory_space<hbm>> -> memref<1x16x2048xf32, #tpu.memory_space<hbm>>
    %dma_start3A_97 = tpu.memref_squeeze %dma_start3A_96 : memref<1x16x2048xf32, #tpu.memory_space<hbm>> -> memref<16x2048xf32, #tpu.memory_space<hbm>>
    %dma_start3A_98 = arith.constant 0 : i32
    %dma_start3A_99 = tpu.memref_slice %arg2[%select_n3A, %add3A_94, %dma_start3A_98] : memref<4x8192x2048xf32, #tpu.memory_space<hbm>> -> memref<1x16x2048xf32, #tpu.memory_space<hbm>>
    %dma_start3A_100 = tpu.memref_squeeze %dma_start3A_99 : memref<1x16x2048xf32, #tpu.memory_space<hbm>> -> memref<16x2048xf32, #tpu.memory_space<hbm>>
    tpu.enqueue_dma source(%dma_start3A_100 : memref<16x2048xf32, #tpu.memory_space<hbm>>) target(%arg4 : memref<16x2048xf32, #tpu.memory_space<vmem>>) target_semaphore(%arg7 : memref<!tpu.dma_semaphore, #tpu.memory_space<semaphore_mem>>)
    %dma_wait3A_101 = arith.constant 0 : i32
    %dma_wait3A_102 = arith.constant 0 : i32
    %dma_wait3A_103 = tpu.memref_slice %arg6[%arg1, %dma_wait3A_101, %dma_wait3A_102] : memref<16x16x2048xf32, #tpu.memory_space<vmem_shared>> -> memref<1x16x2048xf32, #tpu.memory_space<vmem_shared>>
    %dma_wait3A_104 = tpu.memref_squeeze %dma_wait3A_103 : memref<1x16x2048xf32, #tpu.memory_space<vmem_shared>> -> memref<16x2048xf32, #tpu.memory_space<vmem_shared>>
    %dma_wait3A_105 = arith.constant 0 : i32
    %dma_wait3A_106 = tpu.memref_slice %arg2[%select_n3A, %add3A_63, %dma_wait3A_105] : memref<4x8192x2048xf32, #tpu.memory_space<hbm>> -> memref<1x16x2048xf32, #tpu.memory_space<hbm>>
    %dma_wait3A_107 = tpu.memref_squeeze %dma_wait3A_106 : memref<1x16x2048xf32, #tpu.memory_space<hbm>> -> memref<16x2048xf32, #tpu.memory_space<hbm>>
    tpu.wait_dma2 semaphore(%arg9 : memref<!tpu.dma_semaphore, #tpu.memory_space<semaphore_mem>>) src(%dma_wait3A_107 : memref<16x2048xf32, #tpu.memory_space<hbm>>) dst(%dma_wait3A_104 : memref<16x2048xf32, #tpu.memory_space<vmem_shared>>)
    %add3A_108 = arith.constant 32 : i32
    %add3A_109 = arith.addi %mul3A_32, %add3A_108 : i32
    %dma_start3A_110 = arith.constant 0 : i32
    %dma_start3A_111 = tpu.memref_slice %arg3[%select_n3A, %add3A_109, %dma_start3A_110] : memref<4x2048x2048xf32, #tpu.memory_space<hbm>> -> memref<1x16x2048xf32, #tpu.memory_space<hbm>>
    %dma_start3A_112 = tpu.memref_squeeze %dma_start3A_111 : memref<1x16x2048xf32, #tpu.memory_space<hbm>> -> memref<16x2048xf32, #tpu.memory_space<hbm>>
    %dma_start3A_113 = arith.constant 0 : i32
    %dma_start3A_114 = arith.constant 0 : i32
    %dma_start3A_115 = tpu.memref_slice %arg6[%arg1, %dma_start3A_113, %dma_start3A_114] : memref<16x16x2048xf32, #tpu.memory_space<vmem_shared>> -> memref<1x16x2048xf32, #tpu.memory_space<vmem_shared>>
    %dma_start3A_116 = tpu.memref_squeeze %dma_start3A_115 : memref<1x16x2048xf32, #tpu.memory_space<vmem_shared>> -> memref<16x2048xf32, #tpu.memory_space<vmem_shared>>
    tpu.enqueue_dma source(%dma_start3A_116 : memref<16x2048xf32, #tpu.memory_space<vmem_shared>>) target(%dma_start3A_112 : memref<16x2048xf32, #tpu.memory_space<hbm>>) target_semaphore(%arg12 : memref<!tpu.dma_semaphore, #tpu.memory_space<semaphore_mem>>)
    %dma_wait3A_117 = arith.constant 0 : i32
    %dma_wait3A_118 = tpu.memref_slice %arg3[%select_n3A, %add3A_79, %dma_wait3A_117] : memref<4x2048x2048xf32, #tpu.memory_space<hbm>> -> memref<1x16x2048xf32, #tpu.memory_space<hbm>>
    %dma_wait3A_119 = tpu.memref_squeeze %dma_wait3A_118 : memref<1x16x2048xf32, #tpu.memory_space<hbm>> -> memref<16x2048xf32, #tpu.memory_space<hbm>>
    %dma_wait3A_120 = arith.constant 0 : i32
    %dma_wait3A_121 = arith.constant 0 : i32
    %dma_wait3A_122 = tpu.memref_slice %arg5[%arg1, %dma_wait3A_120, %dma_wait3A_121] : memref<16x16x2048xf32, #tpu.memory_space<vmem_shared>> -> memref<1x16x2048xf32, #tpu.memory_space<vmem_shared>>
    %dma_wait3A_123 = tpu.memref_squeeze %dma_wait3A_122 : memref<1x16x2048xf32, #tpu.memory_space<vmem_shared>> -> memref<16x2048xf32, #tpu.memory_space<vmem_shared>>
    tpu.wait_dma2 semaphore(%arg11 : memref<!tpu.dma_semaphore, #tpu.memory_space<semaphore_mem>>) src(%dma_wait3A_123 : memref<16x2048xf32, #tpu.memory_space<vmem_shared>>) dst(%dma_wait3A_119 : memref<16x2048xf32, #tpu.memory_space<hbm>>)
    %add3A_124 = arith.constant 64 : i32
    %add3A_125 = arith.addi %mul3A_32, %add3A_124 : i32
    %dma_start3A_126 = arith.constant 0 : i32
    %dma_start3A_127 = arith.constant 0 : i32
    %dma_start3A_128 = tpu.memref_slice %arg5[%arg1, %dma_start3A_126, %dma_start3A_127] : memref<16x16x2048xf32, #tpu.memory_space<vmem_shared>> -> memref<1x16x2048xf32, #tpu.memory_space<vmem_shared>>
    %dma_start3A_129 = tpu.memref_squeeze %dma_start3A_128 : memref<1x16x2048xf32, #tpu.memory_space<vmem_shared>> -> memref<16x2048xf32, #tpu.memory_space<vmem_shared>>
    %dma_start3A_130 = arith.constant 0 : i32
    %dma_start3A_131 = tpu.memref_slice %arg2[%select_n3A, %add3A_125, %dma_start3A_130] : memref<4x8192x2048xf32, #tpu.memory_space<hbm>> -> memref<1x16x2048xf32, #tpu.memory_space<hbm>>
    %dma_start3A_132 = tpu.memref_squeeze %dma_start3A_131 : memref<1x16x2048xf32, #tpu.memory_space<hbm>> -> memref<16x2048xf32, #tpu.memory_space<hbm>>
    tpu.enqueue_dma source(%dma_start3A_132 : memref<16x2048xf32, #tpu.memory_space<hbm>>) target(%dma_start3A_129 : memref<16x2048xf32, #tpu.memory_space<vmem_shared>>) target_semaphore(%arg8 : memref<!tpu.dma_semaphore, #tpu.memory_space<semaphore_mem>>)
    %dma_wait3A_133 = arith.constant 0 : i32
    %dma_wait3A_134 = tpu.memref_slice %arg2[%select_n3A, %add3A_94, %dma_wait3A_133] : memref<4x8192x2048xf32, #tpu.memory_space<hbm>> -> memref<1x16x2048xf32, #tpu.memory_space<hbm>>
    %dma_wait3A_135 = tpu.memref_squeeze %dma_wait3A_134 : memref<1x16x2048xf32, #tpu.memory_space<hbm>> -> memref<16x2048xf32, #tpu.memory_space<hbm>>
    %dma_wait3A_136 = arith.constant 0 : i32
    %dma_wait3A_137 = tpu.memref_slice %arg2[%select_n3A, %add3A_94, %dma_wait3A_136] : memref<4x8192x2048xf32, #tpu.memory_space<hbm>> -> memref<1x16x2048xf32, #tpu.memory_space<hbm>>
    %dma_wait3A_138 = tpu.memref_squeeze %dma_wait3A_137 : memref<1x16x2048xf32, #tpu.memory_space<hbm>> -> memref<16x2048xf32, #tpu.memory_space<hbm>>
    tpu.wait_dma2 semaphore(%arg7 : memref<!tpu.dma_semaphore, #tpu.memory_space<semaphore_mem>>) src(%dma_wait3A_138 : memref<16x2048xf32, #tpu.memory_space<hbm>>) dst(%arg4 : memref<16x2048xf32, #tpu.memory_space<vmem>>)
    %add3A_139 = arith.constant 48 : i32
    %add3A_140 = arith.addi %mul3A_32, %add3A_139 : i32
    %dma_start3A_141 = arith.constant 0 : i32
    %dma_start3A_142 = tpu.memref_slice %arg3[%select_n3A, %add3A_140, %dma_start3A_141] : memref<4x2048x2048xf32, #tpu.memory_space<hbm>> -> memref<1x16x2048xf32, #tpu.memory_space<hbm>>
    %dma_start3A_143 = tpu.memref_squeeze %dma_start3A_142 : memref<1x16x2048xf32, #tpu.memory_space<hbm>> -> memref<16x2048xf32, #tpu.memory_space<hbm>>
    %dma_start3A_144 = arith.constant 0 : i32
    %dma_start3A_145 = tpu.memref_slice %arg3[%select_n3A, %add3A_140, %dma_start3A_144] : memref<4x2048x2048xf32, #tpu.memory_space<hbm>> -> memref<1x16x2048xf32, #tpu.memory_space<hbm>>
    %dma_start3A_146 = tpu.memref_squeeze %dma_start3A_145 : memref<1x16x2048xf32, #tpu.memory_space<hbm>> -> memref<16x2048xf32, #tpu.memory_space<hbm>>
    tpu.enqueue_dma source(%arg4 : memref<16x2048xf32, #tpu.memory_space<vmem>>) target(%dma_start3A_146 : memref<16x2048xf32, #tpu.memory_space<hbm>>) target_semaphore(%arg10 : memref<!tpu.dma_semaphore, #tpu.memory_space<semaphore_mem>>)
    %dma_wait3A_147 = arith.constant 0 : i32
    %dma_wait3A_148 = tpu.memref_slice %arg3[%select_n3A, %add3A_109, %dma_wait3A_147] : memref<4x2048x2048xf32, #tpu.memory_space<hbm>> -> memref<1x16x2048xf32, #tpu.memory_space<hbm>>
    %dma_wait3A_149 = tpu.memref_squeeze %dma_wait3A_148 : memref<1x16x2048xf32, #tpu.memory_space<hbm>> -> memref<16x2048xf32, #tpu.memory_space<hbm>>
    %dma_wait3A_150 = arith.constant 0 : i32
    %dma_wait3A_151 = arith.constant 0 : i32
    %dma_wait3A_152 = tpu.memref_slice %arg6[%arg1, %dma_wait3A_150, %dma_wait3A_151] : memref<16x16x2048xf32, #tpu.memory_space<vmem_shared>> -> memref<1x16x2048xf32, #tpu.memory_space<vmem_shared>>
    %dma_wait3A_153 = tpu.memref_squeeze %dma_wait3A_152 : memref<1x16x2048xf32, #tpu.memory_space<vmem_shared>> -> memref<16x2048xf32, #tpu.memory_space<vmem_shared>>
    tpu.wait_dma2 semaphore(%arg12 : memref<!tpu.dma_semaphore, #tpu.memory_space<semaphore_mem>>) src(%dma_wait3A_153 : memref<16x2048xf32, #tpu.memory_space<vmem_shared>>) dst(%dma_wait3A_149 : memref<16x2048xf32, #tpu.memory_space<hbm>>)
    %add3A_154 = arith.constant 80 : i32
    %add3A_155 = arith.addi %mul3A_32, %add3A_154 : i32
    %dma_start3A_156 = arith.constant 0 : i32
    %dma_start3A_157 = arith.constant 0 : i32
    %dma_start3A_158 = tpu.memref_slice %arg6[%arg1, %dma_start3A_156, %dma_start3A_157] : memref<16x16x2048xf32, #tpu.memory_space<vmem_shared>> -> memref<1x16x2048xf32, #tpu.memory_space<vmem_shared>>
    %dma_start3A_159 = tpu.memref_squeeze %dma_start3A_158 : memref<1x16x2048xf32, #tpu.memory_space<vmem_shared>> -> memref<16x2048xf32, #tpu.memory_space<vmem_shared>>
    %dma_start3A_160 = arith.constant 0 : i32
    %dma_start3A_161 = tpu.memref_slice %arg2[%select_n3A, %add3A_155, %dma_start3A_160] : memref<4x8192x2048xf32, #tpu.memory_space<hbm>> -> memref<1x16x2048xf32, #tpu.memory_space<hbm>>
    %dma_start3A_162 = tpu.memref_squeeze %dma_start3A_161 : memref<1x16x2048xf32, #tpu.memory_space<hbm>> -> memref<16x2048xf32, #tpu.memory_space<hbm>>
    tpu.enqueue_dma source(%dma_start3A_162 : memref<16x2048xf32, #tpu.memory_space<hbm>>) target(%dma_start3A_159 : memref<16x2048xf32, #tpu.memory_space<vmem_shared>>) target_semaphore(%arg9 : memref<!tpu.dma_semaphore, #tpu.memory_space<semaphore_mem>>)
    %dma_wait3A_163 = arith.constant 0 : i32
    %dma_wait3A_164 = arith.constant 0 : i32
    %dma_wait3A_165 = tpu.memref_slice %arg5[%arg1, %dma_wait3A_163, %dma_wait3A_164] : memref<16x16x2048xf32, #tpu.memory_space<vmem_shared>> -> memref<1x16x2048xf32, #tpu.memory_space<vmem_shared>>
    %dma_wait3A_166 = tpu.memref_squeeze %dma_wait3A_165 : memref<1x16x2048xf32, #tpu.memory_space<vmem_shared>> -> memref<16x2048xf32, #tpu.memory_space<vmem_shared>>
    %dma_wait3A_167 = arith.constant 0 : i32
    %dma_wait3A_168 = tpu.memref_slice %arg2[%select_n3A, %add3A_125, %dma_wait3A_167] : memref<4x8192x2048xf32, #tpu.memory_space<hbm>> -> memref<1x16x2048xf32, #tpu.memory_space<hbm>>
    %dma_wait3A_169 = tpu.memref_squeeze %dma_wait3A_168 : memref<1x16x2048xf32, #tpu.memory_space<hbm>> -> memref<16x2048xf32, #tpu.memory_space<hbm>>
    tpu.wait_dma2 semaphore(%arg8 : memref<!tpu.dma_semaphore, #tpu.memory_space<semaphore_mem>>) src(%dma_wait3A_169 : memref<16x2048xf32, #tpu.memory_space<hbm>>) dst(%dma_wait3A_166 : memref<16x2048xf32, #tpu.memory_space<vmem_shared>>)
    %add3A_170 = arith.constant 64 : i32
    %add3A_171 = arith.addi %mul3A_32, %add3A_170 : i32
    %dma_start3A_172 = arith.constant 0 : i32
    %dma_start3A_173 = tpu.memref_slice %arg3[%select_n3A, %add3A_171, %dma_start3A_172] : memref<4x2048x2048xf32, #tpu.memory_space<hbm>> -> memref<1x16x2048xf32, #tpu.memory_space<hbm>>
    %dma_start3A_174 = tpu.memref_squeeze %dma_start3A_173 : memref<1x16x2048xf32, #tpu.memory_space<hbm>> -> memref<16x2048xf32, #tpu.memory_space<hbm>>
    %dma_start3A_175 = arith.constant 0 : i32
    %dma_start3A_176 = arith.constant 0 : i32
    %dma_start3A_177 = tpu.memref_slice %arg5[%arg1, %dma_start3A_175, %dma_start3A_176] : memref<16x16x2048xf32, #tpu.memory_space<vmem_shared>> -> memref<1x16x2048xf32, #tpu.memory_space<vmem_shared>>
    %dma_start3A_178 = tpu.memref_squeeze %dma_start3A_177 : memref<1x16x2048xf32, #tpu.memory_space<vmem_shared>> -> memref<16x2048xf32, #tpu.memory_space<vmem_shared>>
    tpu.enqueue_dma source(%dma_start3A_178 : memref<16x2048xf32, #tpu.memory_space<vmem_shared>>) target(%dma_start3A_174 : memref<16x2048xf32, #tpu.memory_space<hbm>>) target_semaphore(%arg11 : memref<!tpu.dma_semaphore, #tpu.memory_space<semaphore_mem>>)
    %dma_wait3A_179 = arith.constant 0 : i32
    %dma_wait3A_180 = tpu.memref_slice %arg3[%select_n3A, %add3A_140, %dma_wait3A_179] : memref<4x2048x2048xf32, #tpu.memory_space<hbm>> -> memref<1x16x2048xf32, #tpu.memory_space<hbm>>
    %dma_wait3A_181 = tpu.memref_squeeze %dma_wait3A_180 : memref<1x16x2048xf32, #tpu.memory_space<hbm>> -> memref<16x2048xf32, #tpu.memory_space<hbm>>
    %dma_wait3A_182 = arith.constant 0 : i32
    %dma_wait3A_183 = tpu.memref_slice %arg3[%select_n3A, %add3A_140, %dma_wait3A_182] : memref<4x2048x2048xf32, #tpu.memory_space<hbm>> -> memref<1x16x2048xf32, #tpu.memory_space<hbm>>
    %dma_wait3A_184 = tpu.memref_squeeze %dma_wait3A_183 : memref<1x16x2048xf32, #tpu.memory_space<hbm>> -> memref<16x2048xf32, #tpu.memory_space<hbm>>
    tpu.wait_dma2 semaphore(%arg10 : memref<!tpu.dma_semaphore, #tpu.memory_space<semaphore_mem>>) src(%arg4 : memref<16x2048xf32, #tpu.memory_space<vmem>>) dst(%dma_wait3A_184 : memref<16x2048xf32, #tpu.memory_space<hbm>>)
    %add3A_185 = arith.constant 96 : i32
    %add3A_186 = arith.addi %mul3A_32, %add3A_185 : i32
    %dma_start3A_187 = arith.constant 0 : i32
    %dma_start3A_188 = tpu.memref_slice %arg2[%select_n3A, %add3A_186, %dma_start3A_187] : memref<4x8192x2048xf32, #tpu.memory_space<hbm>> -> memref<1x16x2048xf32, #tpu.memory_space<hbm>>
    %dma_start3A_189 = tpu.memref_squeeze %dma_start3A_188 : memref<1x16x2048xf32, #tpu.memory_space<hbm>> -> memref<16x2048xf32, #tpu.memory_space<hbm>>
    %dma_start3A_190 = arith.constant 0 : i32
    %dma_start3A_191 = tpu.memref_slice %arg2[%select_n3A, %add3A_186, %dma_start3A_190] : memref<4x8192x2048xf32, #tpu.memory_space<hbm>> -> memref<1x16x2048xf32, #tpu.memory_space<hbm>>
    %dma_start3A_192 = tpu.memref_squeeze %dma_start3A_191 : memref<1x16x2048xf32, #tpu.memory_space<hbm>> -> memref<16x2048xf32, #tpu.memory_space<hbm>>
    tpu.enqueue_dma source(%dma_start3A_192 : memref<16x2048xf32, #tpu.memory_space<hbm>>) target(%arg4 : memref<16x2048xf32, #tpu.memory_space<vmem>>) target_semaphore(%arg7 : memref<!tpu.dma_semaphore, #tpu.memory_space<semaphore_mem>>)
    %dma_wait3A_193 = arith.constant 0 : i32
    %dma_wait3A_194 = arith.constant 0 : i32
    %dma_wait3A_195 = tpu.memref_slice %arg6[%arg1, %dma_wait3A_193, %dma_wait3A_194] : memref<16x16x2048xf32, #tpu.memory_space<vmem_shared>> -> memref<1x16x2048xf32, #tpu.memory_space<vmem_shared>>
    %dma_wait3A_196 = tpu.memref_squeeze %dma_wait3A_195 : memref<1x16x2048xf32, #tpu.memory_space<vmem_shared>> -> memref<16x2048xf32, #tpu.memory_space<vmem_shared>>
    %dma_wait3A_197 = arith.constant 0 : i32
    %dma_wait3A_198 = tpu.memref_slice %arg2[%select_n3A, %add3A_155, %dma_wait3A_197] : memref<4x8192x2048xf32, #tpu.memory_space<hbm>> -> memref<1x16x2048xf32, #tpu.memory_space<hbm>>
    %dma_wait3A_199 = tpu.memref_squeeze %dma_wait3A_198 : memref<1x16x2048xf32, #tpu.memory_space<hbm>> -> memref<16x2048xf32, #tpu.memory_space<hbm>>
    tpu.wait_dma2 semaphore(%arg9 : memref<!tpu.dma_semaphore, #tpu.memory_space<semaphore_mem>>) src(%dma_wait3A_199 : memref<16x2048xf32, #tpu.memory_space<hbm>>) dst(%dma_wait3A_196 : memref<16x2048xf32, #tpu.memory_space<vmem_shared>>)
    %add3A_200 = arith.constant 80 : i32
    %add3A_201 = arith.addi %mul3A_32, %add3A_200 : i32
    %dma_start3A_202 = arith.constant 0 : i32
    %dma_start3A_203 = tpu.memref_slice %arg3[%select_n3A, %add3A_201, %dma_start3A_202] : memref<4x2048x2048xf32, #tpu.memory_space<hbm>> -> memref<1x16x2048xf32, #tpu.memory_space<hbm>>
    %dma_start3A_204 = tpu.memref_squeeze %dma_start3A_203 : memref<1x16x2048xf32, #tpu.memory_space<hbm>> -> memref<16x2048xf32, #tpu.memory_space<hbm>>
    %dma_start3A_205 = arith.constant 0 : i32
    %dma_start3A_206 = arith.constant 0 : i32
    %dma_start3A_207 = tpu.memref_slice %arg6[%arg1, %dma_start3A_205, %dma_start3A_206] : memref<16x16x2048xf32, #tpu.memory_space<vmem_shared>> -> memref<1x16x2048xf32, #tpu.memory_space<vmem_shared>>
    %dma_start3A_208 = tpu.memref_squeeze %dma_start3A_207 : memref<1x16x2048xf32, #tpu.memory_space<vmem_shared>> -> memref<16x2048xf32, #tpu.memory_space<vmem_shared>>
    tpu.enqueue_dma source(%dma_start3A_208 : memref<16x2048xf32, #tpu.memory_space<vmem_shared>>) target(%dma_start3A_204 : memref<16x2048xf32, #tpu.memory_space<hbm>>) target_semaphore(%arg12 : memref<!tpu.dma_semaphore, #tpu.memory_space<semaphore_mem>>)
    %dma_wait3A_209 = arith.constant 0 : i32
    %dma_wait3A_210 = tpu.memref_slice %arg3[%select_n3A, %add3A_171, %dma_wait3A_209] : memref<4x2048x2048xf32, #tpu.memory_space<hbm>> -> memref<1x16x2048xf32, #tpu.memory_space<hbm>>
    %dma_wait3A_211 = tpu.memref_squeeze %dma_wait3A_210 : memref<1x16x2048xf32, #tpu.memory_space<hbm>> -> memref<16x2048xf32, #tpu.memory_space<hbm>>
    %dma_wait3A_212 = arith.constant 0 : i32
    %dma_wait3A_213 = arith.constant 0 : i32
    %dma_wait3A_214 = tpu.memref_slice %arg5[%arg1, %dma_wait3A_212, %dma_wait3A_213] : memref<16x16x2048xf32, #tpu.memory_space<vmem_shared>> -> memref<1x16x2048xf32, #tpu.memory_space<vmem_shared>>
    %dma_wait3A_215 = tpu.memref_squeeze %dma_wait3A_214 : memref<1x16x2048xf32, #tpu.memory_space<vmem_shared>> -> memref<16x2048xf32, #tpu.memory_space<vmem_shared>>
    tpu.wait_dma2 semaphore(%arg11 : memref<!tpu.dma_semaphore, #tpu.memory_space<semaphore_mem>>) src(%dma_wait3A_215 : memref<16x2048xf32, #tpu.memory_space<vmem_shared>>) dst(%dma_wait3A_211 : memref<16x2048xf32, #tpu.memory_space<hbm>>)
    %add3A_216 = arith.constant 112 : i32
    %add3A_217 = arith.addi %mul3A_32, %add3A_216 : i32
    %dma_start3A_218 = arith.constant 0 : i32
    %dma_start3A_219 = arith.constant 0 : i32
    %dma_start3A_220 = tpu.memref_slice %arg5[%arg1, %dma_start3A_218, %dma_start3A_219] : memref<16x16x2048xf32, #tpu.memory_space<vmem_shared>> -> memref<1x16x2048xf32, #tpu.memory_space<vmem_shared>>
    %dma_start3A_221 = tpu.memref_squeeze %dma_start3A_220 : memref<1x16x2048xf32, #tpu.memory_space<vmem_shared>> -> memref<16x2048xf32, #tpu.memory_space<vmem_shared>>
    %dma_start3A_222 = arith.constant 0 : i32
    %dma_start3A_223 = tpu.memref_slice %arg2[%select_n3A, %add3A_217, %dma_start3A_222] : memref<4x8192x2048xf32, #tpu.memory_space<hbm>> -> memref<1x16x2048xf32, #tpu.memory_space<hbm>>
    %dma_start3A_224 = tpu.memref_squeeze %dma_start3A_223 : memref<1x16x2048xf32, #tpu.memory_space<hbm>> -> memref<16x2048xf32, #tpu.memory_space<hbm>>
    tpu.enqueue_dma source(%dma_start3A_224 : memref<16x2048xf32, #tpu.memory_space<hbm>>) target(%dma_start3A_221 : memref<16x2048xf32, #tpu.memory_space<vmem_shared>>) target_semaphore(%arg8 : memref<!tpu.dma_semaphore, #tpu.memory_space<semaphore_mem>>)
    %dma_wait3A_225 = arith.constant 0 : i32
    %dma_wait3A_226 = tpu.memref_slice %arg2[%select_n3A, %add3A_186, %dma_wait3A_225] : memref<4x8192x2048xf32, #tpu.memory_space<hbm>> -> memref<1x16x2048xf32, #tpu.memory_space<hbm>>
    %dma_wait3A_227 = tpu.memref_squeeze %dma_wait3A_226 : memref<1x16x2048xf32, #tpu.memory_space<hbm>> -> memref<16x2048xf32, #tpu.memory_space<hbm>>
    %dma_wait3A_228 = arith.constant 0 : i32
    %dma_wait3A_229 = tpu.memref_slice %arg2[%select_n3A, %add3A_186, %dma_wait3A_228] : memref<4x8192x2048xf32, #tpu.memory_space<hbm>> -> memref<1x16x2048xf32, #tpu.memory_space<hbm>>
    %dma_wait3A_230 = tpu.memref_squeeze %dma_wait3A_229 : memref<1x16x2048xf32, #tpu.memory_space<hbm>> -> memref<16x2048xf32, #tpu.memory_space<hbm>>
    tpu.wait_dma2 semaphore(%arg7 : memref<!tpu.dma_semaphore, #tpu.memory_space<semaphore_mem>>) src(%dma_wait3A_230 : memref<16x2048xf32, #tpu.memory_space<hbm>>) dst(%arg4 : memref<16x2048xf32, #tpu.memory_space<vmem>>)
    %add3A_231 = arith.constant 96 : i32
    %add3A_232 = arith.addi %mul3A_32, %add3A_231 : i32
    %dma_start3A_233 = arith.constant 0 : i32
    %dma_start3A_234 = tpu.memref_slice %arg3[%select_n3A, %add3A_232, %dma_start3A_233] : memref<4x2048x2048xf32, #tpu.memory_space<hbm>> -> memref<1x16x2048xf32, #tpu.memory_space<hbm>>
    %dma_start3A_235 = tpu.memref_squeeze %dma_start3A_234 : memref<1x16x2048xf32, #tpu.memory_space<hbm>> -> memref<16x2048xf32, #tpu.memory_space<hbm>>
    %dma_start3A_236 = arith.constant 0 : i32
    %dma_start3A_237 = tpu.memref_slice %arg3[%select_n3A, %add3A_232, %dma_start3A_236] : memref<4x2048x2048xf32, #tpu.memory_space<hbm>> -> memref<1x16x2048xf32, #tpu.memory_space<hbm>>
    %dma_start3A_238 = tpu.memref_squeeze %dma_start3A_237 : memref<1x16x2048xf32, #tpu.memory_space<hbm>> -> memref<16x2048xf32, #tpu.memory_space<hbm>>
    tpu.enqueue_dma source(%arg4 : memref<16x2048xf32, #tpu.memory_space<vmem>>) target(%dma_start3A_238 : memref<16x2048xf32, #tpu.memory_space<hbm>>) target_semaphore(%arg10 : memref<!tpu.dma_semaphore, #tpu.memory_space<semaphore_mem>>)
    %dma_wait3A_239 = arith.constant 0 : i32
    %dma_wait3A_240 = tpu.memref_slice %arg3[%select_n3A, %add3A_201, %dma_wait3A_239] : memref<4x2048x2048xf32, #tpu.memory_space<hbm>> -> memref<1x16x2048xf32, #tpu.memory_space<hbm>>
    %dma_wait3A_241 = tpu.memref_squeeze %dma_wait3A_240 : memref<1x16x2048xf32, #tpu.memory_space<hbm>> -> memref<16x2048xf32, #tpu.memory_space<hbm>>
    %dma_wait3A_242 = arith.constant 0 : i32
    %dma_wait3A_243 = arith.constant 0 : i32
    %dma_wait3A_244 = tpu.memref_slice %arg6[%arg1, %dma_wait3A_242, %dma_wait3A_243] : memref<16x16x2048xf32, #tpu.memory_space<vmem_shared>> -> memref<1x16x2048xf32, #tpu.memory_space<vmem_shared>>
    %dma_wait3A_245 = tpu.memref_squeeze %dma_wait3A_244 : memref<1x16x2048xf32, #tpu.memory_space<vmem_shared>> -> memref<16x2048xf32, #tpu.memory_space<vmem_shared>>
    tpu.wait_dma2 semaphore(%arg12 : memref<!tpu.dma_semaphore, #tpu.memory_space<semaphore_mem>>) src(%dma_wait3A_245 : memref<16x2048xf32, #tpu.memory_space<vmem_shared>>) dst(%dma_wait3A_241 : memref<16x2048xf32, #tpu.memory_space<hbm>>)
    %add3A_246 = arith.constant 128 : i32
    %add3A_247 = arith.addi %mul3A_32, %add3A_246 : i32
    %dma_start3A_248 = arith.constant 0 : i32
    %dma_start3A_249 = arith.constant 0 : i32
    %dma_start3A_250 = tpu.memref_slice %arg6[%arg1, %dma_start3A_248, %dma_start3A_249] : memref<16x16x2048xf32, #tpu.memory_space<vmem_shared>> -> memref<1x16x2048xf32, #tpu.memory_space<vmem_shared>>
    %dma_start3A_251 = tpu.memref_squeeze %dma_start3A_250 : memref<1x16x2048xf32, #tpu.memory_space<vmem_shared>> -> memref<16x2048xf32, #tpu.memory_space<vmem_shared>>
    %dma_start3A_252 = arith.constant 0 : i32
    %dma_start3A_253 = tpu.memref_slice %arg2[%select_n3A, %add3A_247, %dma_start3A_252] : memref<4x8192x2048xf32, #tpu.memory_space<hbm>> -> memref<1x16x2048xf32, #tpu.memory_space<hbm>>
    %dma_start3A_254 = tpu.memref_squeeze %dma_start3A_253 : memref<1x16x2048xf32, #tpu.memory_space<hbm>> -> memref<16x2048xf32, #tpu.memory_space<hbm>>
    tpu.enqueue_dma source(%dma_start3A_254 : memref<16x2048xf32, #tpu.memory_space<hbm>>) target(%dma_start3A_251 : memref<16x2048xf32, #tpu.memory_space<vmem_shared>>) target_semaphore(%arg9 : memref<!tpu.dma_semaphore, #tpu.memory_space<semaphore_mem>>)
    %dma_wait3A_255 = arith.constant 0 : i32
    %dma_wait3A_256 = arith.constant 0 : i32
    %dma_wait3A_257 = tpu.memref_slice %arg5[%arg1, %dma_wait3A_255, %dma_wait3A_256] : memref<16x16x2048xf32, #tpu.memory_space<vmem_shared>> -> memref<1x16x2048xf32, #tpu.memory_space<vmem_shared>>
    %dma_wait3A_258 = tpu.memref_squeeze %dma_wait3A_257 : memref<1x16x2048xf32, #tpu.memory_space<vmem_shared>> -> memref<16x2048xf32, #tpu.memory_space<vmem_shared>>
    %dma_wait3A_259 = arith.constant 0 : i32
    %dma_wait3A_260 = tpu.memref_slice %arg2[%select_n3A, %add3A_217, %dma_wait3A_259] : memref<4x8192x2048xf32, #tpu.memory_space<hbm>> -> memref<1x16x2048xf32, #tpu.memory_space<hbm>>
    %dma_wait3A_261 = tpu.memref_squeeze %dma_wait3A_260 : memref<1x16x2048xf32, #tpu.memory_space<hbm>> -> memref<16x2048xf32, #tpu.memory_space<hbm>>
    tpu.wait_dma2 semaphore(%arg8 : memref<!tpu.dma_semaphore, #tpu.memory_space<semaphore_mem>>) src(%dma_wait3A_261 : memref<16x2048xf32, #tpu.memory_space<hbm>>) dst(%dma_wait3A_258 : memref<16x2048xf32, #tpu.memory_space<vmem_shared>>)
    %add3A_262 = arith.constant 112 : i32
    %add3A_263 = arith.addi %mul3A_32, %add3A_262 : i32
    %dma_start3A_264 = arith.constant 0 : i32
    %dma_start3A_265 = tpu.memref_slice %arg3[%select_n3A, %add3A_263, %dma_start3A_264] : memref<4x2048x2048xf32, #tpu.memory_space<hbm>> -> memref<1x16x2048xf32, #tpu.memory_space<hbm>>
    %dma_start3A_266 = tpu.memref_squeeze %dma_start3A_265 : memref<1x16x2048xf32, #tpu.memory_space<hbm>> -> memref<16x2048xf32, #tpu.memory_space<hbm>>
    %dma_start3A_267 = arith.constant 0 : i32
    %dma_start3A_268 = arith.constant 0 : i32
    %dma_start3A_269 = tpu.memref_slice %arg5[%arg1, %dma_start3A_267, %dma_start3A_268] : memref<16x16x2048xf32, #tpu.memory_space<vmem_shared>> -> memref<1x16x2048xf32, #tpu.memory_space<vmem_shared>>
    %dma_start3A_270 = tpu.memref_squeeze %dma_start3A_269 : memref<1x16x2048xf32, #tpu.memory_space<vmem_shared>> -> memref<16x2048xf32, #tpu.memory_space<vmem_shared>>
    tpu.enqueue_dma source(%dma_start3A_270 : memref<16x2048xf32, #tpu.memory_space<vmem_shared>>) target(%dma_start3A_266 : memref<16x2048xf32, #tpu.memory_space<hbm>>) target_semaphore(%arg11 : memref<!tpu.dma_semaphore, #tpu.memory_space<semaphore_mem>>)
    %dma_wait3A_271 = arith.constant 0 : i32
    %dma_wait3A_272 = tpu.memref_slice %arg3[%select_n3A, %add3A_232, %dma_wait3A_271] : memref<4x2048x2048xf32, #tpu.memory_space<hbm>> -> memref<1x16x2048xf32, #tpu.memory_space<hbm>>
    %dma_wait3A_273 = tpu.memref_squeeze %dma_wait3A_272 : memref<1x16x2048xf32, #tpu.memory_space<hbm>> -> memref<16x2048xf32, #tpu.memory_space<hbm>>
    %dma_wait3A_274 = arith.constant 0 : i32
    %dma_wait3A_275 = tpu.memref_slice %arg3[%select_n3A, %add3A_232, %dma_wait3A_274] : memref<4x2048x2048xf32, #tpu.memory_space<hbm>> -> memref<1x16x2048xf32, #tpu.memory_space<hbm>>
    %dma_wait3A_276 = tpu.memref_squeeze %dma_wait3A_275 : memref<1x16x2048xf32, #tpu.memory_space<hbm>> -> memref<16x2048xf32, #tpu.memory_space<hbm>>
    tpu.wait_dma2 semaphore(%arg10 : memref<!tpu.dma_semaphore, #tpu.memory_space<semaphore_mem>>) src(%arg4 : memref<16x2048xf32, #tpu.memory_space<vmem>>) dst(%dma_wait3A_276 : memref<16x2048xf32, #tpu.memory_space<hbm>>)
    %add3A_277 = arith.constant 144 : i32
    %add3A_278 = arith.addi %mul3A_32, %add3A_277 : i32
    %dma_start3A_279 = arith.constant 0 : i32
    %dma_start3A_280 = tpu.memref_slice %arg2[%select_n3A, %add3A_278, %dma_start3A_279] : memref<4x8192x2048xf32, #tpu.memory_space<hbm>> -> memref<1x16x2048xf32, #tpu.memory_space<hbm>>
    %dma_start3A_281 = tpu.memref_squeeze %dma_start3A_280 : memref<1x16x2048xf32, #tpu.memory_space<hbm>> -> memref<16x2048xf32, #tpu.memory_space<hbm>>
    %dma_start3A_282 = arith.constant 0 : i32
    %dma_start3A_283 = tpu.memref_slice %arg2[%select_n3A, %add3A_278, %dma_start3A_282] : memref<4x8192x2048xf32, #tpu.memory_space<hbm>> -> memref<1x16x2048xf32, #tpu.memory_space<hbm>>
    %dma_start3A_284 = tpu.memref_squeeze %dma_start3A_283 : memref<1x16x2048xf32, #tpu.memory_space<hbm>> -> memref<16x2048xf32, #tpu.memory_space<hbm>>
    tpu.enqueue_dma source(%dma_start3A_284 : memref<16x2048xf32, #tpu.memory_space<hbm>>) target(%arg4 : memref<16x2048xf32, #tpu.memory_space<vmem>>) target_semaphore(%arg7 : memref<!tpu.dma_semaphore, #tpu.memory_space<semaphore_mem>>)
    %dma_wait3A_285 = arith.constant 0 : i32
    %dma_wait3A_286 = arith.constant 0 : i32
    %dma_wait3A_287 = tpu.memref_slice %arg6[%arg1, %dma_wait3A_285, %dma_wait3A_286] : memref<16x16x2048xf32, #tpu.memory_space<vmem_shared>> -> memref<1x16x2048xf32, #tpu.memory_space<vmem_shared>>
    %dma_wait3A_288 = tpu.memref_squeeze %dma_wait3A_287 : memref<1x16x2048xf32, #tpu.memory_space<vmem_shared>> -> memref<16x2048xf32, #tpu.memory_space<vmem_shared>>
    %dma_wait3A_289 = arith.constant 0 : i32
    %dma_wait3A_290 = tpu.memref_slice %arg2[%select_n3A, %add3A_247, %dma_wait3A_289] : memref<4x8192x2048xf32, #tpu.memory_space<hbm>> -> memref<1x16x2048xf32, #tpu.memory_space<hbm>>
    %dma_wait3A_291 = tpu.memref_squeeze %dma_wait3A_290 : memref<1x16x2048xf32, #tpu.memory_space<hbm>> -> memref<16x2048xf32, #tpu.memory_space<hbm>>
    tpu.wait_dma2 semaphore(%arg9 : memref<!tpu.dma_semaphore, #tpu.memory_space<semaphore_mem>>) src(%dma_wait3A_291 : memref<16x2048xf32, #tpu.memory_space<hbm>>) dst(%dma_wait3A_288 : memref<16x2048xf32, #tpu.memory_space<vmem_shared>>)
    %add3A_292 = arith.constant 128 : i32
    %add3A_293 = arith.addi %mul3A_32, %add3A_292 : i32
    %dma_start3A_294 = arith.constant 0 : i32
    %dma_start3A_295 = tpu.memref_slice %arg3[%select_n3A, %add3A_293, %dma_start3A_294] : memref<4x2048x2048xf32, #tpu.memory_space<hbm>> -> memref<1x16x2048xf32, #tpu.memory_space<hbm>>
    %dma_start3A_296 = tpu.memref_squeeze %dma_start3A_295 : memref<1x16x2048xf32, #tpu.memory_space<hbm>> -> memref<16x2048xf32, #tpu.memory_space<hbm>>
    %dma_start3A_297 = arith.constant 0 : i32
    %dma_start3A_298 = arith.constant 0 : i32
    %dma_start3A_299 = tpu.memref_slice %arg6[%arg1, %dma_start3A_297, %dma_start3A_298] : memref<16x16x2048xf32, #tpu.memory_space<vmem_shared>> -> memref<1x16x2048xf32, #tpu.memory_space<vmem_shared>>
    %dma_start3A_300 = tpu.memref_squeeze %dma_start3A_299 : memref<1x16x2048xf32, #tpu.memory_space<vmem_shared>> -> memref<16x2048xf32, #tpu.memory_space<vmem_shared>>
    tpu.enqueue_dma source(%dma_start3A_300 : memref<16x2048xf32, #tpu.memory_space<vmem_shared>>) target(%dma_start3A_296 : memref<16x2048xf32, #tpu.memory_space<hbm>>) target_semaphore(%arg12 : memref<!tpu.dma_semaphore, #tpu.memory_space<semaphore_mem>>)
    %dma_wait3A_301 = arith.constant 0 : i32
    %dma_wait3A_302 = tpu.memref_slice %arg3[%select_n3A, %add3A_263, %dma_wait3A_301] : memref<4x2048x2048xf32, #tpu.memory_space<hbm>> -> memref<1x16x2048xf32, #tpu.memory_space<hbm>>
    %dma_wait3A_303 = tpu.memref_squeeze %dma_wait3A_302 : memref<1x16x2048xf32, #tpu.memory_space<hbm>> -> memref<16x2048xf32, #tpu.memory_space<hbm>>
    %dma_wait3A_304 = arith.constant 0 : i32
    %dma_wait3A_305 = arith.constant 0 : i32
    %dma_wait3A_306 = tpu.memref_slice %arg5[%arg1, %dma_wait3A_304, %dma_wait3A_305] : memref<16x16x2048xf32, #tpu.memory_space<vmem_shared>> -> memref<1x16x2048xf32, #tpu.memory_space<vmem_shared>>
    %dma_wait3A_307 = tpu.memref_squeeze %dma_wait3A_306 : memref<1x16x2048xf32, #tpu.memory_space<vmem_shared>> -> memref<16x2048xf32, #tpu.memory_space<vmem_shared>>
    tpu.wait_dma2 semaphore(%arg11 : memref<!tpu.dma_semaphore, #tpu.memory_space<semaphore_mem>>) src(%dma_wait3A_307 : memref<16x2048xf32, #tpu.memory_space<vmem_shared>>) dst(%dma_wait3A_303 : memref<16x2048xf32, #tpu.memory_space<hbm>>)
    %add3A_308 = arith.constant 160 : i32
    %add3A_309 = arith.addi %mul3A_32, %add3A_308 : i32
    %dma_start3A_310 = arith.constant 0 : i32
    %dma_start3A_311 = arith.constant 0 : i32
    %dma_start3A_312 = tpu.memref_slice %arg5[%arg1, %dma_start3A_310, %dma_start3A_311] : memref<16x16x2048xf32, #tpu.memory_space<vmem_shared>> -> memref<1x16x2048xf32, #tpu.memory_space<vmem_shared>>
    %dma_start3A_313 = tpu.memref_squeeze %dma_start3A_312 : memref<1x16x2048xf32, #tpu.memory_space<vmem_shared>> -> memref<16x2048xf32, #tpu.memory_space<vmem_shared>>
    %dma_start3A_314 = arith.constant 0 : i32
    %dma_start3A_315 = tpu.memref_slice %arg2[%select_n3A, %add3A_309, %dma_start3A_314] : memref<4x8192x2048xf32, #tpu.memory_space<hbm>> -> memref<1x16x2048xf32, #tpu.memory_space<hbm>>
    %dma_start3A_316 = tpu.memref_squeeze %dma_start3A_315 : memref<1x16x2048xf32, #tpu.memory_space<hbm>> -> memref<16x2048xf32, #tpu.memory_space<hbm>>
    tpu.enqueue_dma source(%dma_start3A_316 : memref<16x2048xf32, #tpu.memory_space<hbm>>) target(%dma_start3A_313 : memref<16x2048xf32, #tpu.memory_space<vmem_shared>>) target_semaphore(%arg8 : memref<!tpu.dma_semaphore, #tpu.memory_space<semaphore_mem>>)
    %dma_wait3A_317 = arith.constant 0 : i32
    %dma_wait3A_318 = tpu.memref_slice %arg2[%select_n3A, %add3A_278, %dma_wait3A_317] : memref<4x8192x2048xf32, #tpu.memory_space<hbm>> -> memref<1x16x2048xf32, #tpu.memory_space<hbm>>
    %dma_wait3A_319 = tpu.memref_squeeze %dma_wait3A_318 : memref<1x16x2048xf32, #tpu.memory_space<hbm>> -> memref<16x2048xf32, #tpu.memory_space<hbm>>
    %dma_wait3A_320 = arith.constant 0 : i32
    %dma_wait3A_321 = tpu.memref_slice %arg2[%select_n3A, %add3A_278, %dma_wait3A_320] : memref<4x8192x2048xf32, #tpu.memory_space<hbm>> -> memref<1x16x2048xf32, #tpu.memory_space<hbm>>
    %dma_wait3A_322 = tpu.memref_squeeze %dma_wait3A_321 : memref<1x16x2048xf32, #tpu.memory_space<hbm>> -> memref<16x2048xf32, #tpu.memory_space<hbm>>
    tpu.wait_dma2 semaphore(%arg7 : memref<!tpu.dma_semaphore, #tpu.memory_space<semaphore_mem>>) src(%dma_wait3A_322 : memref<16x2048xf32, #tpu.memory_space<hbm>>) dst(%arg4 : memref<16x2048xf32, #tpu.memory_space<vmem>>)
    %add3A_323 = arith.constant 144 : i32
    %add3A_324 = arith.addi %mul3A_32, %add3A_323 : i32
    %dma_start3A_325 = arith.constant 0 : i32
    %dma_start3A_326 = tpu.memref_slice %arg3[%select_n3A, %add3A_324, %dma_start3A_325] : memref<4x2048x2048xf32, #tpu.memory_space<hbm>> -> memref<1x16x2048xf32, #tpu.memory_space<hbm>>
    %dma_start3A_327 = tpu.memref_squeeze %dma_start3A_326 : memref<1x16x2048xf32, #tpu.memory_space<hbm>> -> memref<16x2048xf32, #tpu.memory_space<hbm>>
    %dma_start3A_328 = arith.constant 0 : i32
    %dma_start3A_329 = tpu.memref_slice %arg3[%select_n3A, %add3A_324, %dma_start3A_328] : memref<4x2048x2048xf32, #tpu.memory_space<hbm>> -> memref<1x16x2048xf32, #tpu.memory_space<hbm>>
    %dma_start3A_330 = tpu.memref_squeeze %dma_start3A_329 : memref<1x16x2048xf32, #tpu.memory_space<hbm>> -> memref<16x2048xf32, #tpu.memory_space<hbm>>
    tpu.enqueue_dma source(%arg4 : memref<16x2048xf32, #tpu.memory_space<vmem>>) target(%dma_start3A_330 : memref<16x2048xf32, #tpu.memory_space<hbm>>) target_semaphore(%arg10 : memref<!tpu.dma_semaphore, #tpu.memory_space<semaphore_mem>>)
    %dma_wait3A_331 = arith.constant 0 : i32
    %dma_wait3A_332 = tpu.memref_slice %arg3[%select_n3A, %add3A_293, %dma_wait3A_331] : memref<4x2048x2048xf32, #tpu.memory_space<hbm>> -> memref<1x16x2048xf32, #tpu.memory_space<hbm>>
    %dma_wait3A_333 = tpu.memref_squeeze %dma_wait3A_332 : memref<1x16x2048xf32, #tpu.memory_space<hbm>> -> memref<16x2048xf32, #tpu.memory_space<hbm>>
    %dma_wait3A_334 = arith.constant 0 : i32
    %dma_wait3A_335 = arith.constant 0 : i32
    %dma_wait3A_336 = tpu.memref_slice %arg6[%arg1, %dma_wait3A_334, %dma_wait3A_335] : memref<16x16x2048xf32, #tpu.memory_space<vmem_shared>> -> memref<1x16x2048xf32, #tpu.memory_space<vmem_shared>>
    %dma_wait3A_337 = tpu.memref_squeeze %dma_wait3A_336 : memref<1x16x2048xf32, #tpu.memory_space<vmem_shared>> -> memref<16x2048xf32, #tpu.memory_space<vmem_shared>>
    tpu.wait_dma2 semaphore(%arg12 : memref<!tpu.dma_semaphore, #tpu.memory_space<semaphore_mem>>) src(%dma_wait3A_337 : memref<16x2048xf32, #tpu.memory_space<vmem_shared>>) dst(%dma_wait3A_333 : memref<16x2048xf32, #tpu.memory_space<hbm>>)
    %add3A_338 = arith.constant 176 : i32
    %add3A_339 = arith.addi %mul3A_32, %add3A_338 : i32
    %dma_start3A_340 = arith.constant 0 : i32
    %dma_start3A_341 = arith.constant 0 : i32
    %dma_start3A_342 = tpu.memref_slice %arg6[%arg1, %dma_start3A_340, %dma_start3A_341] : memref<16x16x2048xf32, #tpu.memory_space<vmem_shared>> -> memref<1x16x2048xf32, #tpu.memory_space<vmem_shared>>
    %dma_start3A_343 = tpu.memref_squeeze %dma_start3A_342 : memref<1x16x2048xf32, #tpu.memory_space<vmem_shared>> -> memref<16x2048xf32, #tpu.memory_space<vmem_shared>>
    %dma_start3A_344 = arith.constant 0 : i32
    %dma_start3A_345 = tpu.memref_slice %arg2[%select_n3A, %add3A_339, %dma_start3A_344] : memref<4x8192x2048xf32, #tpu.memory_space<hbm>> -> memref<1x16x2048xf32, #tpu.memory_space<hbm>>
    %dma_start3A_346 = tpu.memref_squeeze %dma_start3A_345 : memref<1x16x2048xf32, #tpu.memory_space<hbm>> -> memref<16x2048xf32, #tpu.memory_space<hbm>>
    tpu.enqueue_dma source(%dma_start3A_346 : memref<16x2048xf32, #tpu.memory_space<hbm>>) target(%dma_start3A_343 : memref<16x2048xf32, #tpu.memory_space<vmem_shared>>) target_semaphore(%arg9 : memref<!tpu.dma_semaphore, #tpu.memory_space<semaphore_mem>>)
    %dma_wait3A_347 = arith.constant 0 : i32
    %dma_wait3A_348 = arith.constant 0 : i32
    %dma_wait3A_349 = tpu.memref_slice %arg5[%arg1, %dma_wait3A_347, %dma_wait3A_348] : memref<16x16x2048xf32, #tpu.memory_space<vmem_shared>> -> memref<1x16x2048xf32, #tpu.memory_space<vmem_shared>>
    %dma_wait3A_350 = tpu.memref_squeeze %dma_wait3A_349 : memref<1x16x2048xf32, #tpu.memory_space<vmem_shared>> -> memref<16x2048xf32, #tpu.memory_space<vmem_shared>>
    %dma_wait3A_351 = arith.constant 0 : i32
    %dma_wait3A_352 = tpu.memref_slice %arg2[%select_n3A, %add3A_309, %dma_wait3A_351] : memref<4x8192x2048xf32, #tpu.memory_space<hbm>> -> memref<1x16x2048xf32, #tpu.memory_space<hbm>>
    %dma_wait3A_353 = tpu.memref_squeeze %dma_wait3A_352 : memref<1x16x2048xf32, #tpu.memory_space<hbm>> -> memref<16x2048xf32, #tpu.memory_space<hbm>>
    tpu.wait_dma2 semaphore(%arg8 : memref<!tpu.dma_semaphore, #tpu.memory_space<semaphore_mem>>) src(%dma_wait3A_353 : memref<16x2048xf32, #tpu.memory_space<hbm>>) dst(%dma_wait3A_350 : memref<16x2048xf32, #tpu.memory_space<vmem_shared>>)
    %add3A_354 = arith.constant 160 : i32
    %add3A_355 = arith.addi %mul3A_32, %add3A_354 : i32
    %dma_start3A_356 = arith.constant 0 : i32
    %dma_start3A_357 = tpu.memref_slice %arg3[%select_n3A, %add3A_355, %dma_start3A_356] : memref<4x2048x2048xf32, #tpu.memory_space<hbm>> -> memref<1x16x2048xf32, #tpu.memory_space<hbm>>
    %dma_start3A_358 = tpu.memref_squeeze %dma_start3A_357 : memref<1x16x2048xf32, #tpu.memory_space<hbm>> -> memref<16x2048xf32, #tpu.memory_space<hbm>>
    %dma_start3A_359 = arith.constant 0 : i32
    %dma_start3A_360 = arith.constant 0 : i32
    %dma_start3A_361 = tpu.memref_slice %arg5[%arg1, %dma_start3A_359, %dma_start3A_360] : memref<16x16x2048xf32, #tpu.memory_space<vmem_shared>> -> memref<1x16x2048xf32, #tpu.memory_space<vmem_shared>>
    %dma_start3A_362 = tpu.memref_squeeze %dma_start3A_361 : memref<1x16x2048xf32, #tpu.memory_space<vmem_shared>> -> memref<16x2048xf32, #tpu.memory_space<vmem_shared>>
    tpu.enqueue_dma source(%dma_start3A_362 : memref<16x2048xf32, #tpu.memory_space<vmem_shared>>) target(%dma_start3A_358 : memref<16x2048xf32, #tpu.memory_space<hbm>>) target_semaphore(%arg11 : memref<!tpu.dma_semaphore, #tpu.memory_space<semaphore_mem>>)
    %dma_wait3A_363 = arith.constant 0 : i32
    %dma_wait3A_364 = tpu.memref_slice %arg3[%select_n3A, %add3A_324, %dma_wait3A_363] : memref<4x2048x2048xf32, #tpu.memory_space<hbm>> -> memref<1x16x2048xf32, #tpu.memory_space<hbm>>
    %dma_wait3A_365 = tpu.memref_squeeze %dma_wait3A_364 : memref<1x16x2048xf32, #tpu.memory_space<hbm>> -> memref<16x2048xf32, #tpu.memory_space<hbm>>
    %dma_wait3A_366 = arith.constant 0 : i32
    %dma_wait3A_367 = tpu.memref_slice %arg3[%select_n3A, %add3A_324, %dma_wait3A_366] : memref<4x2048x2048xf32, #tpu.memory_space<hbm>> -> memref<1x16x2048xf32, #tpu.memory_space<hbm>>
    %dma_wait3A_368 = tpu.memref_squeeze %dma_wait3A_367 : memref<1x16x2048xf32, #tpu.memory_space<hbm>> -> memref<16x2048xf32, #tpu.memory_space<hbm>>
    tpu.wait_dma2 semaphore(%arg10 : memref<!tpu.dma_semaphore, #tpu.memory_space<semaphore_mem>>) src(%arg4 : memref<16x2048xf32, #tpu.memory_space<vmem>>) dst(%dma_wait3A_368 : memref<16x2048xf32, #tpu.memory_space<hbm>>)
    %add3A_369 = arith.constant 192 : i32
    %add3A_370 = arith.addi %mul3A_32, %add3A_369 : i32
    %dma_start3A_371 = arith.constant 0 : i32
    %dma_start3A_372 = tpu.memref_slice %arg2[%select_n3A, %add3A_370, %dma_start3A_371] : memref<4x8192x2048xf32, #tpu.memory_space<hbm>> -> memref<1x16x2048xf32, #tpu.memory_space<hbm>>
    %dma_start3A_373 = tpu.memref_squeeze %dma_start3A_372 : memref<1x16x2048xf32, #tpu.memory_space<hbm>> -> memref<16x2048xf32, #tpu.memory_space<hbm>>
    %dma_start3A_374 = arith.constant 0 : i32
    %dma_start3A_375 = tpu.memref_slice %arg2[%select_n3A, %add3A_370, %dma_start3A_374] : memref<4x8192x2048xf32, #tpu.memory_space<hbm>> -> memref<1x16x2048xf32, #tpu.memory_space<hbm>>
    %dma_start3A_376 = tpu.memref_squeeze %dma_start3A_375 : memref<1x16x2048xf32, #tpu.memory_space<hbm>> -> memref<16x2048xf32, #tpu.memory_space<hbm>>
    tpu.enqueue_dma source(%dma_start3A_376 : memref<16x2048xf32, #tpu.memory_space<hbm>>) target(%arg4 : memref<16x2048xf32, #tpu.memory_space<vmem>>) target_semaphore(%arg7 : memref<!tpu.dma_semaphore, #tpu.memory_space<semaphore_mem>>)
    %dma_wait3A_377 = arith.constant 0 : i32
    %dma_wait3A_378 = arith.constant 0 : i32
    %dma_wait3A_379 = tpu.memref_slice %arg6[%arg1, %dma_wait3A_377, %dma_wait3A_378] : memref<16x16x2048xf32, #tpu.memory_space<vmem_shared>> -> memref<1x16x2048xf32, #tpu.memory_space<vmem_shared>>
    %dma_wait3A_380 = tpu.memref_squeeze %dma_wait3A_379 : memref<1x16x2048xf32, #tpu.memory_space<vmem_shared>> -> memref<16x2048xf32, #tpu.memory_space<vmem_shared>>
    %dma_wait3A_381 = arith.constant 0 : i32
    %dma_wait3A_382 = tpu.memref_slice %arg2[%select_n3A, %add3A_339, %dma_wait3A_381] : memref<4x8192x2048xf32, #tpu.memory_space<hbm>> -> memref<1x16x2048xf32, #tpu.memory_space<hbm>>
    %dma_wait3A_383 = tpu.memref_squeeze %dma_wait3A_382 : memref<1x16x2048xf32, #tpu.memory_space<hbm>> -> memref<16x2048xf32, #tpu.memory_space<hbm>>
    tpu.wait_dma2 semaphore(%arg9 : memref<!tpu.dma_semaphore, #tpu.memory_space<semaphore_mem>>) src(%dma_wait3A_383 : memref<16x2048xf32, #tpu.memory_space<hbm>>) dst(%dma_wait3A_380 : memref<16x2048xf32, #tpu.memory_space<vmem_shared>>)
    %add3A_384 = arith.constant 176 : i32
    %add3A_385 = arith.addi %mul3A_32, %add3A_384 : i32
    %dma_start3A_386 = arith.constant 0 : i32
    %dma_start3A_387 = tpu.memref_slice %arg3[%select_n3A, %add3A_385, %dma_start3A_386] : memref<4x2048x2048xf32, #tpu.memory_space<hbm>> -> memref<1x16x2048xf32, #tpu.memory_space<hbm>>
    %dma_start3A_388 = tpu.memref_squeeze %dma_start3A_387 : memref<1x16x2048xf32, #tpu.memory_space<hbm>> -> memref<16x2048xf32, #tpu.memory_space<hbm>>
    %dma_start3A_389 = arith.constant 0 : i32
    %dma_start3A_390 = arith.constant 0 : i32
    %dma_start3A_391 = tpu.memref_slice %arg6[%arg1, %dma_start3A_389, %dma_start3A_390] : memref<16x16x2048xf32, #tpu.memory_space<vmem_shared>> -> memref<1x16x2048xf32, #tpu.memory_space<vmem_shared>>
    %dma_start3A_392 = tpu.memref_squeeze %dma_start3A_391 : memref<1x16x2048xf32, #tpu.memory_space<vmem_shared>> -> memref<16x2048xf32, #tpu.memory_space<vmem_shared>>
    tpu.enqueue_dma source(%dma_start3A_392 : memref<16x2048xf32, #tpu.memory_space<vmem_shared>>) target(%dma_start3A_388 : memref<16x2048xf32, #tpu.memory_space<hbm>>) target_semaphore(%arg12 : memref<!tpu.dma_semaphore, #tpu.memory_space<semaphore_mem>>)
    %dma_wait3A_393 = arith.constant 0 : i32
    %dma_wait3A_394 = tpu.memref_slice %arg3[%select_n3A, %add3A_355, %dma_wait3A_393] : memref<4x2048x2048xf32, #tpu.memory_space<hbm>> -> memref<1x16x2048xf32, #tpu.memory_space<hbm>>
    %dma_wait3A_395 = tpu.memref_squeeze %dma_wait3A_394 : memref<1x16x2048xf32, #tpu.memory_space<hbm>> -> memref<16x2048xf32, #tpu.memory_space<hbm>>
    %dma_wait3A_396 = arith.constant 0 : i32
    %dma_wait3A_397 = arith.constant 0 : i32
    %dma_wait3A_398 = tpu.memref_slice %arg5[%arg1, %dma_wait3A_396, %dma_wait3A_397] : memref<16x16x2048xf32, #tpu.memory_space<vmem_shared>> -> memref<1x16x2048xf32, #tpu.memory_space<vmem_shared>>
    %dma_wait3A_399 = tpu.memref_squeeze %dma_wait3A_398 : memref<1x16x2048xf32, #tpu.memory_space<vmem_shared>> -> memref<16x2048xf32, #tpu.memory_space<vmem_shared>>
    tpu.wait_dma2 semaphore(%arg11 : memref<!tpu.dma_semaphore, #tpu.memory_space<semaphore_mem>>) src(%dma_wait3A_399 : memref<16x2048xf32, #tpu.memory_space<vmem_shared>>) dst(%dma_wait3A_395 : memref<16x2048xf32, #tpu.memory_space<hbm>>)
    %add3A_400 = arith.constant 208 : i32
    %add3A_401 = arith.addi %mul3A_32, %add3A_400 : i32
    %dma_start3A_402 = arith.constant 0 : i32
    %dma_start3A_403 = arith.constant 0 : i32
    %dma_start3A_404 = tpu.memref_slice %arg5[%arg1, %dma_start3A_402, %dma_start3A_403] : memref<16x16x2048xf32, #tpu.memory_space<vmem_shared>> -> memref<1x16x2048xf32, #tpu.memory_space<vmem_shared>>
    %dma_start3A_405 = tpu.memref_squeeze %dma_start3A_404 : memref<1x16x2048xf32, #tpu.memory_space<vmem_shared>> -> memref<16x2048xf32, #tpu.memory_space<vmem_shared>>
    %dma_start3A_406 = arith.constant 0 : i32
    %dma_start3A_407 = tpu.memref_slice %arg2[%select_n3A, %add3A_401, %dma_start3A_406] : memref<4x8192x2048xf32, #tpu.memory_space<hbm>> -> memref<1x16x2048xf32, #tpu.memory_space<hbm>>
    %dma_start3A_408 = tpu.memref_squeeze %dma_start3A_407 : memref<1x16x2048xf32, #tpu.memory_space<hbm>> -> memref<16x2048xf32, #tpu.memory_space<hbm>>
    tpu.enqueue_dma source(%dma_start3A_408 : memref<16x2048xf32, #tpu.memory_space<hbm>>) target(%dma_start3A_405 : memref<16x2048xf32, #tpu.memory_space<vmem_shared>>) target_semaphore(%arg8 : memref<!tpu.dma_semaphore, #tpu.memory_space<semaphore_mem>>)
    %dma_wait3A_409 = arith.constant 0 : i32
    %dma_wait3A_410 = tpu.memref_slice %arg2[%select_n3A, %add3A_370, %dma_wait3A_409] : memref<4x8192x2048xf32, #tpu.memory_space<hbm>> -> memref<1x16x2048xf32, #tpu.memory_space<hbm>>
    %dma_wait3A_411 = tpu.memref_squeeze %dma_wait3A_410 : memref<1x16x2048xf32, #tpu.memory_space<hbm>> -> memref<16x2048xf32, #tpu.memory_space<hbm>>
    %dma_wait3A_412 = arith.constant 0 : i32
    %dma_wait3A_413 = tpu.memref_slice %arg2[%select_n3A, %add3A_370, %dma_wait3A_412] : memref<4x8192x2048xf32, #tpu.memory_space<hbm>> -> memref<1x16x2048xf32, #tpu.memory_space<hbm>>
    %dma_wait3A_414 = tpu.memref_squeeze %dma_wait3A_413 : memref<1x16x2048xf32, #tpu.memory_space<hbm>> -> memref<16x2048xf32, #tpu.memory_space<hbm>>
    tpu.wait_dma2 semaphore(%arg7 : memref<!tpu.dma_semaphore, #tpu.memory_space<semaphore_mem>>) src(%dma_wait3A_414 : memref<16x2048xf32, #tpu.memory_space<hbm>>) dst(%arg4 : memref<16x2048xf32, #tpu.memory_space<vmem>>)
    %add3A_415 = arith.constant 192 : i32
    %add3A_416 = arith.addi %mul3A_32, %add3A_415 : i32
    %dma_start3A_417 = arith.constant 0 : i32
    %dma_start3A_418 = tpu.memref_slice %arg3[%select_n3A, %add3A_416, %dma_start3A_417] : memref<4x2048x2048xf32, #tpu.memory_space<hbm>> -> memref<1x16x2048xf32, #tpu.memory_space<hbm>>
    %dma_start3A_419 = tpu.memref_squeeze %dma_start3A_418 : memref<1x16x2048xf32, #tpu.memory_space<hbm>> -> memref<16x2048xf32, #tpu.memory_space<hbm>>
    %dma_start3A_420 = arith.constant 0 : i32
    %dma_start3A_421 = tpu.memref_slice %arg3[%select_n3A, %add3A_416, %dma_start3A_420] : memref<4x2048x2048xf32, #tpu.memory_space<hbm>> -> memref<1x16x2048xf32, #tpu.memory_space<hbm>>
    %dma_start3A_422 = tpu.memref_squeeze %dma_start3A_421 : memref<1x16x2048xf32, #tpu.memory_space<hbm>> -> memref<16x2048xf32, #tpu.memory_space<hbm>>
    tpu.enqueue_dma source(%arg4 : memref<16x2048xf32, #tpu.memory_space<vmem>>) target(%dma_start3A_422 : memref<16x2048xf32, #tpu.memory_space<hbm>>) target_semaphore(%arg10 : memref<!tpu.dma_semaphore, #tpu.memory_space<semaphore_mem>>)
    %dma_wait3A_423 = arith.constant 0 : i32
    %dma_wait3A_424 = tpu.memref_slice %arg3[%select_n3A, %add3A_385, %dma_wait3A_423] : memref<4x2048x2048xf32, #tpu.memory_space<hbm>> -> memref<1x16x2048xf32, #tpu.memory_space<hbm>>
    %dma_wait3A_425 = tpu.memref_squeeze %dma_wait3A_424 : memref<1x16x2048xf32, #tpu.memory_space<hbm>> -> memref<16x2048xf32, #tpu.memory_space<hbm>>
    %dma_wait3A_426 = arith.constant 0 : i32
    %dma_wait3A_427 = arith.constant 0 : i32
    %dma_wait3A_428 = tpu.memref_slice %arg6[%arg1, %dma_wait3A_426, %dma_wait3A_427] : memref<16x16x2048xf32, #tpu.memory_space<vmem_shared>> -> memref<1x16x2048xf32, #tpu.memory_space<vmem_shared>>
    %dma_wait3A_429 = tpu.memref_squeeze %dma_wait3A_428 : memref<1x16x2048xf32, #tpu.memory_space<vmem_shared>> -> memref<16x2048xf32, #tpu.memory_space<vmem_shared>>
    tpu.wait_dma2 semaphore(%arg12 : memref<!tpu.dma_semaphore, #tpu.memory_space<semaphore_mem>>) src(%dma_wait3A_429 : memref<16x2048xf32, #tpu.memory_space<vmem_shared>>) dst(%dma_wait3A_425 : memref<16x2048xf32, #tpu.memory_space<hbm>>)
    %add3A_430 = arith.constant 224 : i32
    %add3A_431 = arith.addi %mul3A_32, %add3A_430 : i32
    %dma_start3A_432 = arith.constant 0 : i32
    %dma_start3A_433 = arith.constant 0 : i32
    %dma_start3A_434 = tpu.memref_slice %arg6[%arg1, %dma_start3A_432, %dma_start3A_433] : memref<16x16x2048xf32, #tpu.memory_space<vmem_shared>> -> memref<1x16x2048xf32, #tpu.memory_space<vmem_shared>>
    %dma_start3A_435 = tpu.memref_squeeze %dma_start3A_434 : memref<1x16x2048xf32, #tpu.memory_space<vmem_shared>> -> memref<16x2048xf32, #tpu.memory_space<vmem_shared>>
    %dma_start3A_436 = arith.constant 0 : i32
    %dma_start3A_437 = tpu.memref_slice %arg2[%select_n3A, %add3A_431, %dma_start3A_436] : memref<4x8192x2048xf32, #tpu.memory_space<hbm>> -> memref<1x16x2048xf32, #tpu.memory_space<hbm>>
    %dma_start3A_438 = tpu.memref_squeeze %dma_start3A_437 : memref<1x16x2048xf32, #tpu.memory_space<hbm>> -> memref<16x2048xf32, #tpu.memory_space<hbm>>
    tpu.enqueue_dma source(%dma_start3A_438 : memref<16x2048xf32, #tpu.memory_space<hbm>>) target(%dma_start3A_435 : memref<16x2048xf32, #tpu.memory_space<vmem_shared>>) target_semaphore(%arg9 : memref<!tpu.dma_semaphore, #tpu.memory_space<semaphore_mem>>)
    %dma_wait3A_439 = arith.constant 0 : i32
    %dma_wait3A_440 = arith.constant 0 : i32
    %dma_wait3A_441 = tpu.memref_slice %arg5[%arg1, %dma_wait3A_439, %dma_wait3A_440] : memref<16x16x2048xf32, #tpu.memory_space<vmem_shared>> -> memref<1x16x2048xf32, #tpu.memory_space<vmem_shared>>
    %dma_wait3A_442 = tpu.memref_squeeze %dma_wait3A_441 : memref<1x16x2048xf32, #tpu.memory_space<vmem_shared>> -> memref<16x2048xf32, #tpu.memory_space<vmem_shared>>
    %dma_wait3A_443 = arith.constant 0 : i32
    %dma_wait3A_444 = tpu.memref_slice %arg2[%select_n3A, %add3A_401, %dma_wait3A_443] : memref<4x8192x2048xf32, #tpu.memory_space<hbm>> -> memref<1x16x2048xf32, #tpu.memory_space<hbm>>
    %dma_wait3A_445 = tpu.memref_squeeze %dma_wait3A_444 : memref<1x16x2048xf32, #tpu.memory_space<hbm>> -> memref<16x2048xf32, #tpu.memory_space<hbm>>
    tpu.wait_dma2 semaphore(%arg8 : memref<!tpu.dma_semaphore, #tpu.memory_space<semaphore_mem>>) src(%dma_wait3A_445 : memref<16x2048xf32, #tpu.memory_space<hbm>>) dst(%dma_wait3A_442 : memref<16x2048xf32, #tpu.memory_space<vmem_shared>>)
    %add3A_446 = arith.constant 208 : i32
    %add3A_447 = arith.addi %mul3A_32, %add3A_446 : i32
    %dma_start3A_448 = arith.constant 0 : i32
    %dma_start3A_449 = tpu.memref_slice %arg3[%select_n3A, %add3A_447, %dma_start3A_448] : memref<4x2048x2048xf32, #tpu.memory_space<hbm>> -> memref<1x16x2048xf32, #tpu.memory_space<hbm>>
    %dma_start3A_450 = tpu.memref_squeeze %dma_start3A_449 : memref<1x16x2048xf32, #tpu.memory_space<hbm>> -> memref<16x2048xf32, #tpu.memory_space<hbm>>
    %dma_start3A_451 = arith.constant 0 : i32
    %dma_start3A_452 = arith.constant 0 : i32
    %dma_start3A_453 = tpu.memref_slice %arg5[%arg1, %dma_start3A_451, %dma_start3A_452] : memref<16x16x2048xf32, #tpu.memory_space<vmem_shared>> -> memref<1x16x2048xf32, #tpu.memory_space<vmem_shared>>
    %dma_start3A_454 = tpu.memref_squeeze %dma_start3A_453 : memref<1x16x2048xf32, #tpu.memory_space<vmem_shared>> -> memref<16x2048xf32, #tpu.memory_space<vmem_shared>>
    tpu.enqueue_dma source(%dma_start3A_454 : memref<16x2048xf32, #tpu.memory_space<vmem_shared>>) target(%dma_start3A_450 : memref<16x2048xf32, #tpu.memory_space<hbm>>) target_semaphore(%arg11 : memref<!tpu.dma_semaphore, #tpu.memory_space<semaphore_mem>>)
    %dma_wait3A_455 = arith.constant 0 : i32
    %dma_wait3A_456 = tpu.memref_slice %arg3[%select_n3A, %add3A_416, %dma_wait3A_455] : memref<4x2048x2048xf32, #tpu.memory_space<hbm>> -> memref<1x16x2048xf32, #tpu.memory_space<hbm>>
    %dma_wait3A_457 = tpu.memref_squeeze %dma_wait3A_456 : memref<1x16x2048xf32, #tpu.memory_space<hbm>> -> memref<16x2048xf32, #tpu.memory_space<hbm>>
    %dma_wait3A_458 = arith.constant 0 : i32
    %dma_wait3A_459 = tpu.memref_slice %arg3[%select_n3A, %add3A_416, %dma_wait3A_458] : memref<4x2048x2048xf32, #tpu.memory_space<hbm>> -> memref<1x16x2048xf32, #tpu.memory_space<hbm>>
    %dma_wait3A_460 = tpu.memref_squeeze %dma_wait3A_459 : memref<1x16x2048xf32, #tpu.memory_space<hbm>> -> memref<16x2048xf32, #tpu.memory_space<hbm>>
    tpu.wait_dma2 semaphore(%arg10 : memref<!tpu.dma_semaphore, #tpu.memory_space<semaphore_mem>>) src(%arg4 : memref<16x2048xf32, #tpu.memory_space<vmem>>) dst(%dma_wait3A_460 : memref<16x2048xf32, #tpu.memory_space<hbm>>)
    %add3A_461 = arith.constant 240 : i32
    %add3A_462 = arith.addi %mul3A_32, %add3A_461 : i32
    %dma_start3A_463 = arith.constant 0 : i32
    %dma_start3A_464 = tpu.memref_slice %arg2[%select_n3A, %add3A_462, %dma_start3A_463] : memref<4x8192x2048xf32, #tpu.memory_space<hbm>> -> memref<1x16x2048xf32, #tpu.memory_space<hbm>>
    %dma_start3A_465 = tpu.memref_squeeze %dma_start3A_464 : memref<1x16x2048xf32, #tpu.memory_space<hbm>> -> memref<16x2048xf32, #tpu.memory_space<hbm>>
    %dma_start3A_466 = arith.constant 0 : i32
    %dma_start3A_467 = tpu.memref_slice %arg2[%select_n3A, %add3A_462, %dma_start3A_466] : memref<4x8192x2048xf32, #tpu.memory_space<hbm>> -> memref<1x16x2048xf32, #tpu.memory_space<hbm>>
    %dma_start3A_468 = tpu.memref_squeeze %dma_start3A_467 : memref<1x16x2048xf32, #tpu.memory_space<hbm>> -> memref<16x2048xf32, #tpu.memory_space<hbm>>
    tpu.enqueue_dma source(%dma_start3A_468 : memref<16x2048xf32, #tpu.memory_space<hbm>>) target(%arg4 : memref<16x2048xf32, #tpu.memory_space<vmem>>) target_semaphore(%arg7 : memref<!tpu.dma_semaphore, #tpu.memory_space<semaphore_mem>>)
    %dma_wait3A_469 = arith.constant 0 : i32
    %dma_wait3A_470 = arith.constant 0 : i32
    %dma_wait3A_471 = tpu.memref_slice %arg6[%arg1, %dma_wait3A_469, %dma_wait3A_470] : memref<16x16x2048xf32, #tpu.memory_space<vmem_shared>> -> memref<1x16x2048xf32, #tpu.memory_space<vmem_shared>>
    %dma_wait3A_472 = tpu.memref_squeeze %dma_wait3A_471 : memref<1x16x2048xf32, #tpu.memory_space<vmem_shared>> -> memref<16x2048xf32, #tpu.memory_space<vmem_shared>>
    %dma_wait3A_473 = arith.constant 0 : i32
    %dma_wait3A_474 = tpu.memref_slice %arg2[%select_n3A, %add3A_431, %dma_wait3A_473] : memref<4x8192x2048xf32, #tpu.memory_space<hbm>> -> memref<1x16x2048xf32, #tpu.memory_space<hbm>>
    %dma_wait3A_475 = tpu.memref_squeeze %dma_wait3A_474 : memref<1x16x2048xf32, #tpu.memory_space<hbm>> -> memref<16x2048xf32, #tpu.memory_space<hbm>>
    tpu.wait_dma2 semaphore(%arg9 : memref<!tpu.dma_semaphore, #tpu.memory_space<semaphore_mem>>) src(%dma_wait3A_475 : memref<16x2048xf32, #tpu.memory_space<hbm>>) dst(%dma_wait3A_472 : memref<16x2048xf32, #tpu.memory_space<vmem_shared>>)
    %add3A_476 = arith.constant 224 : i32
    %add3A_477 = arith.addi %mul3A_32, %add3A_476 : i32
    %dma_start3A_478 = arith.constant 0 : i32
    %dma_start3A_479 = tpu.memref_slice %arg3[%select_n3A, %add3A_477, %dma_start3A_478] : memref<4x2048x2048xf32, #tpu.memory_space<hbm>> -> memref<1x16x2048xf32, #tpu.memory_space<hbm>>
    %dma_start3A_480 = tpu.memref_squeeze %dma_start3A_479 : memref<1x16x2048xf32, #tpu.memory_space<hbm>> -> memref<16x2048xf32, #tpu.memory_space<hbm>>
    %dma_start3A_481 = arith.constant 0 : i32
    %dma_start3A_482 = arith.constant 0 : i32
    %dma_start3A_483 = tpu.memref_slice %arg6[%arg1, %dma_start3A_481, %dma_start3A_482] : memref<16x16x2048xf32, #tpu.memory_space<vmem_shared>> -> memref<1x16x2048xf32, #tpu.memory_space<vmem_shared>>
    %dma_start3A_484 = tpu.memref_squeeze %dma_start3A_483 : memref<1x16x2048xf32, #tpu.memory_space<vmem_shared>> -> memref<16x2048xf32, #tpu.memory_space<vmem_shared>>
    tpu.enqueue_dma source(%dma_start3A_484 : memref<16x2048xf32, #tpu.memory_space<vmem_shared>>) target(%dma_start3A_480 : memref<16x2048xf32, #tpu.memory_space<hbm>>) target_semaphore(%arg12 : memref<!tpu.dma_semaphore, #tpu.memory_space<semaphore_mem>>)
    %dma_wait3A_485 = arith.constant 0 : i32
    %dma_wait3A_486 = tpu.memref_slice %arg2[%select_n3A, %add3A_462, %dma_wait3A_485] : memref<4x8192x2048xf32, #tpu.memory_space<hbm>> -> memref<1x16x2048xf32, #tpu.memory_space<hbm>>
    %dma_wait3A_487 = tpu.memref_squeeze %dma_wait3A_486 : memref<1x16x2048xf32, #tpu.memory_space<hbm>> -> memref<16x2048xf32, #tpu.memory_space<hbm>>
    %dma_wait3A_488 = arith.constant 0 : i32
    %dma_wait3A_489 = tpu.memref_slice %arg2[%select_n3A, %add3A_462, %dma_wait3A_488] : memref<4x8192x2048xf32, #tpu.memory_space<hbm>> -> memref<1x16x2048xf32, #tpu.memory_space<hbm>>
    %dma_wait3A_490 = tpu.memref_squeeze %dma_wait3A_489 : memref<1x16x2048xf32, #tpu.memory_space<hbm>> -> memref<16x2048xf32, #tpu.memory_space<hbm>>
    tpu.wait_dma2 semaphore(%arg7 : memref<!tpu.dma_semaphore, #tpu.memory_space<semaphore_mem>>) src(%dma_wait3A_490 : memref<16x2048xf32, #tpu.memory_space<hbm>>) dst(%arg4 : memref<16x2048xf32, #tpu.memory_space<vmem>>)
    %add3A_491 = arith.constant 240 : i32
    %add3A_492 = arith.addi %mul3A_32, %add3A_491 : i32
    %dma_start3A_493 = arith.constant 0 : i32
    %dma_start3A_494 = tpu.memref_slice %arg3[%select_n3A, %add3A_492, %dma_start3A_493] : memref<4x2048x2048xf32, #tpu.memory_space<hbm>> -> memref<1x16x2048xf32, #tpu.memory_space<hbm>>
    %dma_start3A_495 = tpu.memref_squeeze %dma_start3A_494 : memref<1x16x2048xf32, #tpu.memory_space<hbm>> -> memref<16x2048xf32, #tpu.memory_space<hbm>>
    %dma_start3A_496 = arith.constant 0 : i32
    %dma_start3A_497 = tpu.memref_slice %arg3[%select_n3A, %add3A_492, %dma_start3A_496] : memref<4x2048x2048xf32, #tpu.memory_space<hbm>> -> memref<1x16x2048xf32, #tpu.memory_space<hbm>>
    %dma_start3A_498 = tpu.memref_squeeze %dma_start3A_497 : memref<1x16x2048xf32, #tpu.memory_space<hbm>> -> memref<16x2048xf32, #tpu.memory_space<hbm>>
    tpu.enqueue_dma source(%arg4 : memref<16x2048xf32, #tpu.memory_space<vmem>>) target(%dma_start3A_498 : memref<16x2048xf32, #tpu.memory_space<hbm>>) target_semaphore(%arg10 : memref<!tpu.dma_semaphore, #tpu.memory_space<semaphore_mem>>)
    %dma_wait3A_499 = arith.constant 0 : i32
    %dma_wait3A_500 = tpu.memref_slice %arg3[%select_n3A, %add3A_492, %dma_wait3A_499] : memref<4x2048x2048xf32, #tpu.memory_space<hbm>> -> memref<1x16x2048xf32, #tpu.memory_space<hbm>>
    %dma_wait3A_501 = tpu.memref_squeeze %dma_wait3A_500 : memref<1x16x2048xf32, #tpu.memory_space<hbm>> -> memref<16x2048xf32, #tpu.memory_space<hbm>>
    %dma_wait3A_502 = arith.constant 0 : i32
    %dma_wait3A_503 = tpu.memref_slice %arg3[%select_n3A, %add3A_492, %dma_wait3A_502] : memref<4x2048x2048xf32, #tpu.memory_space<hbm>> -> memref<1x16x2048xf32, #tpu.memory_space<hbm>>
    %dma_wait3A_504 = tpu.memref_squeeze %dma_wait3A_503 : memref<1x16x2048xf32, #tpu.memory_space<hbm>> -> memref<16x2048xf32, #tpu.memory_space<hbm>>
    tpu.wait_dma2 semaphore(%arg10 : memref<!tpu.dma_semaphore, #tpu.memory_space<semaphore_mem>>) src(%arg4 : memref<16x2048xf32, #tpu.memory_space<vmem>>) dst(%dma_wait3A_504 : memref<16x2048xf32, #tpu.memory_space<hbm>>)
    %dma_wait3A_505 = arith.constant 0 : i32
    %dma_wait3A_506 = tpu.memref_slice %arg3[%select_n3A, %add3A_447, %dma_wait3A_505] : memref<4x2048x2048xf32, #tpu.memory_space<hbm>> -> memref<1x16x2048xf32, #tpu.memory_space<hbm>>
    %dma_wait3A_507 = tpu.memref_squeeze %dma_wait3A_506 : memref<1x16x2048xf32, #tpu.memory_space<hbm>> -> memref<16x2048xf32, #tpu.memory_space<hbm>>
    %dma_wait3A_508 = arith.constant 0 : i32
    %dma_wait3A_509 = arith.constant 0 : i32
    %dma_wait3A_510 = tpu.memref_slice %arg5[%arg1, %dma_wait3A_508, %dma_wait3A_509] : memref<16x16x2048xf32, #tpu.memory_space<vmem_shared>> -> memref<1x16x2048xf32, #tpu.memory_space<vmem_shared>>
    %dma_wait3A_511 = tpu.memref_squeeze %dma_wait3A_510 : memref<1x16x2048xf32, #tpu.memory_space<vmem_shared>> -> memref<16x2048xf32, #tpu.memory_space<vmem_shared>>
    tpu.wait_dma2 semaphore(%arg11 : memref<!tpu.dma_semaphore, #tpu.memory_space<semaphore_mem>>) src(%dma_wait3A_511 : memref<16x2048xf32, #tpu.memory_space<vmem_shared>>) dst(%dma_wait3A_507 : memref<16x2048xf32, #tpu.memory_space<hbm>>)
    %dma_wait3A_512 = arith.constant 0 : i32
    %dma_wait3A_513 = tpu.memref_slice %arg3[%select_n3A, %add3A_477, %dma_wait3A_512] : memref<4x2048x2048xf32, #tpu.memory_space<hbm>> -> memref<1x16x2048xf32, #tpu.memory_space<hbm>>
    %dma_wait3A_514 = tpu.memref_squeeze %dma_wait3A_513 : memref<1x16x2048xf32, #tpu.memory_space<hbm>> -> memref<16x2048xf32, #tpu.memory_space<hbm>>
    %dma_wait3A_515 = arith.constant 0 : i32
    %dma_wait3A_516 = arith.constant 0 : i32
    %dma_wait3A_517 = tpu.memref_slice %arg6[%arg1, %dma_wait3A_515, %dma_wait3A_516] : memref<16x16x2048xf32, #tpu.memory_space<vmem_shared>> -> memref<1x16x2048xf32, #tpu.memory_space<vmem_shared>>
    %dma_wait3A_518 = tpu.memref_squeeze %dma_wait3A_517 : memref<1x16x2048xf32, #tpu.memory_space<vmem_shared>> -> memref<16x2048xf32, #tpu.memory_space<vmem_shared>>
    tpu.wait_dma2 semaphore(%arg12 : memref<!tpu.dma_semaphore, #tpu.memory_space<semaphore_mem>>) src(%dma_wait3A_518 : memref<16x2048xf32, #tpu.memory_space<vmem_shared>>) dst(%dma_wait3A_514 : memref<16x2048xf32, #tpu.memory_space<hbm>>)
    return
  }
}

</mosaic_0001>

<sc_bundles>
// kernel: kernel.3.cloned.1.call-start
scs
__scs_entry_jumppad:
0x0: {  	(pc) =	sbr.rel $0x88, $3  }
0x1: {  	(tag) =	ssettag $0x0;
	lr =	simm.s32 $0x1  }
0x2: {  	[smem:$0x3FA0] =	sst lr;
	_ =	strace $0xD0000000  }
0x3: {  	_ = 	snop  }
0x4: {  	_ = 	snop  }
0x5: {  	_ = 	snop  }
0x6: {  	_ = 	snop  }
0x7: {  	_ = 	snop  }
__scs_overlays_trampoline_lowered:
0x8: {  	[smem:$0x3FAF] =	sst s0  }
0x9: {  	[smem:$0x3FB0] =	sst s1  }
0xa: {  	[smem:$0x3FB1] =	sst s2  }
0xb: {  	[smem:$0x3FB2] =	sst s3  }
0xc: {  	[smem:$0x3FB3] =	sst s4  }
0xd: {  	[smem:$0x3FB4] =	sst s5  }
0xe: {  	[smem:$0x3FB5] =	sst s6  }
0xf: {  	[smem:$0x3FB6] =	sst s7  }
0x10: {  	[smem:$0x3FB7] =	sst s8  }
0x11: {  	[smem:$0x3FB8] =	sst s9;
	s0 =	simm.s32 @!p0 $0x0  }
0x12: {  	s1 =	sld [smem:$0x3F9E];
	s0 =	simm.s32 @p0 $0x1  }
0x13: {  	[smem:$0x3FB9] =	sst s0;
	s0 =	simm.s32 @!p1 $0x0  }
0x14: {  	s2 =	sld [smem:$0x3F9D];
	s0 =	simm.s32 @p1 $0x1  }
0x15: {  	[smem:$0x3FBA] =	sst s0;
	s0 =	simm.s32 @!p2 $0x0  }
0x16: {  	s3 =	sld [smem:$0x3FDB];
	s0 =	simm.s32 @p2 $0x1  }
0x17: {  	s4 =	simm.s32 $0x1BF5;
	[smem:$0x3FBC] =	sst s0  }
0x18: {  	s0 =	sld [smem:$0x3F9F];
	_ =	swait.ge [sflag:s4], $0x0  }
0x19: {  	s7 =	sld [smem:$0x3FA0]  }
0x1a: {  	s8 =	sadd.s32 $0xFFFFE003, lr  }
0x1b: {  	s9 =	sadd.s32 $0xFFFFFEF7, lr;
	s5 =	simm.s32 $0xFFFFFFFF;
	p2 =	slt.u32 s8, $0xFFFFF086  }
0x1c: {  	p1 =	slt.u32 s9, $0xF7A;
	s5 =	simm.s32 @!p2 $0x0  }
0x1d: {  	s5 =	simm.s32 @p1 $0x1;
	p0 =	seq.s32 s7, s2  }
0x1e: {  	s7 =	smul.u32 @!p0 $0xF7A, s2;
	p2 =	seq.s32 @!p0 s5, $0x0  }
0x1f: {  	s9 =	smul.u32 $0xF7A, s1;
	s8 =	simm.s32 @!p0 $0x1BF5;
	p2 =	por !p2, p0  }
0x20: {  	[sflag:s8] =	ssyncset.s32 @!p0 $0xFFFFF086;
	s6 =	sadd.s32 @!p0 s3, s7;
	s7 =	simm.s32 @!p0 $0x108  }
0x21: {  	s3 =	sadd.s32 s3, s9;
	s6 =	sadd.s32 @!p0 $0x88, s6;
	s7 =	simm.s32 @p2 $0x1082  }
0x22: {  	[simem:s7], [sflag:s8] =	dma.local @!p0 [hbm:s6], $0xF7A  }
0x23: {  	s9 =	sor.u32 $0xD0000000, s2;
	s6 =	simm.s32 $0x108;
	_ =	swait.ge @!p0 [sflag:s8], $0x0  }
0x24: {  	s3 =	sadd.s32 $0x88, s3;
	s6 =	simm.s32 @!p1 $0x1082;
	[sflag:s4] =	ssyncset.s32 $0xFFFFF086  }
0x25: {  	[simem:s6], [sflag:s4] =	dma.local [hbm:s3], $0xF7A  }
0x26: {  	[smem:$0x3FA0] =	sst s1;
	(tag) =	ssettag s2;
	_ =	strace s9  }
0x27: {  	s1 =	sld [smem:$0x3FB0]  }
0x28: {  	s2 =	sld [smem:$0x3FB1]  }
0x29: {  	s4 =	sld [smem:$0x3FB3]  }
0x2a: {  	p0 =	seq.s32 s5, $0x0;
	s5 =	sld [smem:$0x3FB4]  }
0x2b: {  	s6 =	sld [smem:$0x3FB5]  }
0x2c: {  	s7 =	sld [smem:$0x3FB6]  }
0x2d: {  	s3 =	simm.s32 $0x108;
	s8 =	sld [smem:$0x3FB7]  }
0x2e: {  	s3 =	simm.s32 @!p0 $0x1082;
	s9 =	sld [smem:$0x3FB8]  }
0x2f: {  	lr =	sadd.s32 s0, s3;
	s0 =	sld [smem:$0x3FAF]  }
0x30: {  	s3 =	sld [smem:$0x3FB2]  }
0x31: {  	[smem:$0x3FBB] =	sst s10  }
0x32: {  	s10 =	sld [smem:$0x3FB9];
	_ =	sdelay $0x3  }
0x33: {  	p0 =	seq.s32 s10, $0x1;
	s10 =	sld [smem:$0x3FBB];
	_ =	sdelay $0x3  }
0x34: {  	[smem:$0x3FBB] =	sst s10  }
0x35: {  	s10 =	sld [smem:$0x3FBA];
	_ =	sdelay $0x3  }
0x36: {  	p1 =	seq.s32 s10, $0x1;
	s10 =	sld [smem:$0x3FBB];
	_ =	sdelay $0x3  }
0x37: {  	[smem:$0x3FBB] =	sst s10  }
0x38: {  	s10 =	sld [smem:$0x3FBC]  }
0x39: {  	_ = 	snop;
	(pc) =	sbr.ind lr, $3  }
0x3a: {  	_ = 	snop  }
0x3b: {  	_ = 	snop  }
0x3c: {  	p2 =	seq.s32 s10, $0x1;
	s10 =	sld [smem:$0x3FBB]  }
0x3d: {  	_ =	shalt  }
0x3e: {  	_ =	shalt  }
0x3f: {  	_ =	shalt  }
0x40: {  	_ =	shalt  }
0x41: {  	_ =	shalt  }
0x42: {  	_ =	shalt  }
0x43: {  	_ =	shalt  }
0x44: {  	_ =	shalt  }
0x45: {  	_ =	shalt  }
0x46: {  	_ =	shalt  }
0x47: {  	_ =	shalt  }
0x48: {  	_ =	shalt  }
0x49: {  	_ =	shalt  }
0x4a: {  	_ =	shalt  }
0x4b: {  	_ =	shalt  }
0x4c: {  	_ =	shalt  }
0x4d: {  	_ =	shalt  }
0x4e: {  	_ =	shalt  }
0x4f: {  	_ =	shalt  }
0x50: {  	_ =	shalt  }
0x51: {  	_ =	shalt  }
0x52: {  	_ =	shalt  }
0x53: {  	_ =	shalt  }
0x54: {  	_ =	shalt  }
0x55: {  	_ =	shalt  }
0x56: {  	_ =	shalt  }
0x57: {  	_ =	shalt  }
0x58: {  	_ =	shalt  }
0x59: {  	_ =	shalt  }
0x5a: {  	_ =	shalt  }
0x5b: {  	_ =	shalt  }
0x5c: {  	_ =	shalt  }
0x5d: {  	_ =	shalt  }
0x5e: {  	_ =	shalt  }
0x5f: {  	_ =	shalt  }
0x60: {  	_ =	shalt  }
0x61: {  	_ =	shalt  }
0x62: {  	_ =	shalt  }
0x63: {  	_ =	shalt  }
0x64: {  	_ =	shalt  }
0x65: {  	_ =	shalt  }
0x66: {  	_ =	shalt  }
0x67: {  	_ =	shalt  }
0x68: {  	_ =	shalt  }
0x69: {  	_ =	shalt  }
0x6a: {  	_ =	shalt  }
0x6b: {  	_ =	shalt  }
0x6c: {  	_ =	shalt  }
0x6d: {  	_ =	shalt  }
0x6e: {  	_ =	shalt  }
0x6f: {  	_ =	shalt  }
0x70: {  	_ =	shalt  }
0x71: {  	_ =	shalt  }
0x72: {  	_ =	shalt  }
0x73: {  	_ =	shalt  }
0x74: {  	_ =	shalt  }
0x75: {  	_ =	shalt  }
0x76: {  	_ =	shalt  }
0x77: {  	_ =	shalt  }
0x78: {  	_ =	shalt  }
0x79: {  	_ =	shalt  }
0x7a: {  	_ =	shalt  }
0x7b: {  	_ =	shalt  }
0x7c: {  	_ =	shalt  }
0x7d: {  	_ =	shalt  }
0x7e: {  	_ =	shalt  }
0x7f: {  	_ =	shalt  }
0x80: {  	_ =	shalt  }
0x81: {  	_ =	shalt  }
0x82: {  	_ =	shalt  }
0x83: {  	_ =	shalt  }
0x84: {  	_ =	shalt  }
0x85: {  	_ =	shalt  }
0x86: {  	_ =	shalt  }
0x87: {  	_ =	shalt  }
.Lfunc_end0:
.L_simem_size_0:
called_computation_lowered:
.L_overlay_start_0:
0x88: {  	s2 =	sld [smem:$0x3FD9]  }
0x89: {  	s3 =	sld [smem:$0x3FFE];
	_ =	sdelay $0x1  }
0x8a: {  	s1 =	srdreg.scid  }
0x8b: {  	s0 =	sand.u32 $0x1, s1  }
0x8c: {  	s18 =	sshll.u32 s0, $0xA;
	s2 =	sadd.s32 s3, s2  }
0x8d: {  	s2 =	sadd.s32 s2, s18  }
0x8e: {  	[smem:$0x3FC7] =	sst s2  }
0x8f: {  	_ = 	snop  }
0x90: {  	s2 =	sld [smem:$0x3FC9]  }
0x91: {  	s19 =	sld [smem:$0x3FD0];
	(tm) =	ssettm $0x1  }
0x92: {  	s4 =	sld [smem:$0x3FFB];
	_ =	sdelay $0x3  }
0x93: {  	_ =	strace s4  }
0x94: {  	s4 =	sld [smem:$0x3FFC];
	_ =	sdelay $0x3  }
0x95: {  	_ =	strace s4  }
0x96: {  	s4 =	sld [smem:$0x3FFD];
	_ =	sdelay $0x3  }
0x97: {  	_ =	strace s4  }
0x98: {  	_ =	strace $0x8FFFFFFF  }
0x99: {  	s20 =	sld [smem:$0x3FDB];
	_ =	sdelay $0x1  }
0x9a: {  	s5 =	simm.s32 $_scs_section_size  }
0x9b: {  	s6 =	simm.s32 $_size__tile_overlayer_lowered;
	s7 =	simm.s32 $_tile_overlayer_lowered  }
0x9c: {  	s23 =	simm.s32 $0x1BFF;
	s22 =	sshll.u32 s7, $0x1;
	s4 =	sadd.s32 s5, s20  }
0x9d: {  	s8 =	simm.s32 $0x0;
	s21 =	sshll.u32 s6, $0x1;
	s6 =	sadd.s32 s22, s4  }
0x9e: {  	[timem:s8], [sflag:s23] =	dma.local [hbm:s6], s21  }
0x9f: {  	_ =	swait.ge [sflag:s23], s21  }
0xa0: {  	s5 =	ssub.s32 $0x0, s21;
	[sflag:s23] =	ssyncset.done $0x0  }
0xa1: {  	[sflag:s23] =	ssyncadd.s32 s5;
	_ =	sdelay $0x1  }
0xa2: {  	s24 =	simm.s32 $0x1B8B  }
0xa3: {  	_ =	swait.ge [sflag:s24], $0x1  }
0xa4: {  	[sflag:s24] =	ssyncset.done $0x0  }
0xa5: {  	s25 =	simm.s32 $0x1B8E;
	[sflag:s24] =	ssyncadd.s32 $0xFFFFFFFF  }
0xa6: {  	s26 =	simm.s32 $execute0_lowered;
	[smem:$0x3FD2] =	sst s25  }
0xa7: {  	s5 =	sshll.u32 s26, $0x1;
	_ =	strace $0x80000046;
	[dreg:$0x1] =	wrdreg $0xFFFFFFFF  }
0xa8: {  	s28 =	simm.s32 $_size_execute0_lowered;
	s4 =	sadd.s32 s4, s5;
	[dreg:$0x0] =	wrdreg $0x0  }
0xa9: {  	s5 =	sshll.u32 s28, $0x1;
	[dreg:$0x2] =	wrdreg s4  }
0xaa: {  	[dreg:$0x3] =	wrdreg s5  }
0xab: {  	[dreg:$0x4] =	wrdreg $0xC0  }
0xac: {  	_ =	task [dreg:s8], $0x5FFFF  }
0xad: {  	[dreg:$0x1] =	wrdreg $0xFFFFFFFF  }
0xae: {  	[dreg:$0x0] =	wrdreg $0x60  }
0xaf: {  	[dreg:$0x2] =	wrdreg s2  }
0xb0: {  	[dreg:$0x3] =	wrdreg s19  }
0xb1: {  	[dreg:$0x4] =	wrdreg $0x80000  }
0xb2: {  	[dreg:$0x5] =	wrdreg $0x100000  }
0xb3: {  	[dreg:$0x6] =	wrdreg $0x9  }
0xb4: {  	_ =	task.clear_ibuf [dreg:s8], $0x7FFFF;
	_ =	strace $0x90000046  }
0xb5: {  	s29 =	simm.s32 $0x9;
	_ =	strace $0x80000048  }
0xb6: {  	_ =	swait.ge [sflag:s29], $0x1  }
0xb7: {  	[sflag:s29] =	ssyncadd.s32 $0xFFFFFFFF  }
0xb8: {  	_ =	strace $0x90000048  }
0xb9: {  	_ =	sfence  }
0xba: {  	s30 =	sld [smem:$0x0];
	_ =	sdelay $0x2  }
0xbb: {  	s31 =	sshll.u32 s1, $0xD;
	s1 =	sshrl.u32 s1, $0x2  }
0xbc: {  	s3 =	sand.u32 $0x4000, s31;
	s1 =	sadd.s32 s1, s30  }
0xbd: {  	s0 =	sor.u32 s3, s0;
	s1 =	sshll.u32 s1, $0x11  }
0xbe: {  	s0 =	sor.u32 s1, s0  }
0xbf: {  	s0 =	sadd.s32 $0x8F2B, s0  }
0xc0: {  	[sflag:s0] =	ssyncadd.remote.s32 $0x1  }
0xc1: {  	_ =	sfence.sel $0xFFFF  }
0xc2: {  	[dreg:$0x0] =	wrdreg $0xFFFFFFFF;
	(pc) =	sbr.abs _section_cstart, $3  }
0xc3: {  	[dreg:$0x1] =	wrdreg $0xFFFFFFFF  }
0xc4: {  	_ =	task.clear_ibuf [dreg:s8], $0x2FFFF;
	_ =	strace $0x9FFFFFFF  }
0xc5: {  	(tm) =	ssettm $0x7FFFFFFF  }
tec
execute0_lowered:
.L_overlay_start_1:
0x0: {  	(tag) =	ssettag $0x1  }
0x1: {  	s5 =	rddreg [dreg:$0x0]  }
0x2: {  	s1 =	rddreg [dreg:$0x1]  }
0x3: {  	s30 =	stileid.u32;
	s0 =	rddreg [dreg:$0x2]  }
0x4: {  	s2 =	srdreg.scid;
	s10 =	rddreg [dreg:$0x3]  }
0x5: {  	s28 =	simm.s32 $0x2;
	p0 =	por $0x0, $0x0;
	s3 =	sshll.u32 s30, $0x1  }
0x6: {  	s4 =	sand.u32 $0x1, s2;
	s22 =	sshrl.u32 s30, $0x2;
	s2 =	simm.s32 $0x0  }
0x7: {  	s12 =	sshll.u32 s30, $0xF;
	s21 =	sand.u32 $0x6, s3;
	s7 =	sshll.u32 s22, $0x18  }
0x8: {  	[smem:$0x7FF] =	sst s2;
	s6 =	sor.u32 s4, s21;
	s4 =	ssub.s32 $0x2, s4  }
0x9: {  	_ =	strace $0x80000047;
	s6 =	sshll.u32 s6, $0x13;
	s9 =	sshrl.u32 s4, $0x1  }
0xa: {  	s8 =	sor.u32 s7, s6;
	s13 =	sor.u32 $0x8000, s6;
	s26 =	sor.u32 $0x10000, s6  }
0xb: {  	s31 =	sor.u32 $0x18000, s6;
	s18 =	sor.u32 $0x20000, s6;
	s8 =	sshrl.u32 s8, $0x3  }
0xc: {  	s23 =	sor.u32 s7, s13;
	s14 =	sor.u32 s7, s26;
	s16 =	sor.u32 s7, s31  }
0xd: {  	s20 =	sor.u32 s7, s18;
	s11 =	sadd.s32 s5, s8;
	s8 =	ssub.s32 s4, s9  }
0xe: {  	s4 =	sshrl.u32 s23, $0x3;
	s9 =	sadd.s32 s12, s0;
	s29 =	sshrl.u32 s14, $0x3  }
0xf: {  	s17 =	sshrl.u32 s16, $0x3;
	s21 =	sshrl.u32 s20, $0x3;
	s23 =	sor.u32 $0x28000, s6  }
0x10: {  	[dreg:$0x5] =	wrdreg s11;
	s11 =	sshll.u32 s22, $0x16;
	s24 =	sadd.s32 s5, s4  }
0x11: {  	s4 =	sshll.u32 s30, $0x6;
	s3 =	sor.u32 s11, s6;
	[dreg:$0x6] =	wrdreg s24  }
0x12: {  	s13 =	sor.u32 s11, s13;
	s22 =	sor.u32 s11, s31;
	s31 =	sor.u32 $0x30000, s6  }
0x13: {  	[dreg:$0x16] =	wrdreg s4;
	s25 =	sshrl.u32 s3, $0x3;
	s13 =	sshrl.u32 s13, $0x3  }
0x14: {  	s3 =	sor.u32 s11, s26;
	s16 =	sor.u32 s7, s31;
	s0 =	sadd.s32 s1, s25  }
0x15: {  	s15 =	sadd.s32 s1, s13;
	s3 =	sshrl.u32 s3, $0x3;
	s25 =	sor.u32 s7, s23  }
0x16: {  	s13 =	sor.u32 s11, s31;
	s31 =	sor.u32 $0x48000, s6;
	[dreg:$0x7] =	wrdreg s0  }
0x17: {  	s0 =	sadd.s32 s5, s29;
	[dreg:$0x9] =	wrdreg s15;
	s19 =	sadd.s32 s1, s3  }
0x18: {  	s3 =	sshrl.u32 s22, $0x3;
	s26 =	sshrl.u32 s25, $0x3;
	s29 =	sor.u32 s11, s18  }
0x19: {  	s18 =	sor.u32 s11, s23;
	s22 =	sor.u32 $0x40000, s6;
	[dreg:$0x8] =	wrdreg s0  }
0x1a: {  	s23 =	sshrl.u32 s13, $0x3;
	s0 =	sadd.s32 s5, s17;
	[dreg:$0xb] =	wrdreg s19  }
0x1b: {  	s24 =	sadd.s32 s1, s3;
	s3 =	sshrl.u32 s29, $0x3;
	s17 =	sshrl.u32 s16, $0x3  }
0x1c: {  	s19 =	sor.u32 $0x38000, s6;
	s16 =	sor.u32 s11, s22;
	[dreg:$0xa] =	wrdreg s0  }
0x1d: {  	s0 =	sadd.s32 s5, s21;
	[dreg:$0xd] =	wrdreg s24;
	s15 =	sadd.s32 s1, s3  }
0x1e: {  	s3 =	sshrl.u32 s18, $0x3;
	s24 =	sor.u32 s7, s22;
	[dreg:$0xc] =	wrdreg s0  }
0x1f: {  	s14 =	sor.u32 s11, s19;
	s0 =	sadd.s32 s5, s26;
	[dreg:$0xf] =	wrdreg s15  }
0x20: {  	s20 =	sadd.s32 s1, s3;
	s15 =	sor.u32 s7, s19;
	s3 =	sor.u32 $0x1C02, s4  }
0x21: {  	s13 =	sshrl.u32 s24, $0x3;
	s26 =	sshrl.u32 s14, $0x3;
	s14 =	sadd.s32 s12, s10  }
0x22: {  	s12 =	sor.u32 s7, s31;
	s19 =	sshrl.u32 s16, $0x3;
	[dreg:$0xe] =	wrdreg s0  }
0x23: {  	s0 =	sadd.s32 s5, s17;
	[dreg:$0x11] =	wrdreg s20;
	s21 =	sshrl.u32 s15, $0x3  }
0x24: {  	s25 =	sadd.s32 s5, s13;
	s29 =	sadd.s32 s1, s26;
	[dreg:$0x10] =	wrdreg s0  }
0x25: {  	s17 =	sor.u32 $0x50000, s6;
	s22 =	sadd.s32 s1, s19;
	[dreg:$0x14] =	wrdreg s25  }
0x26: {  	s26 =	sor.u32 $0x58000, s6;
	s0 =	sadd.s32 s5, s21;
	[dreg:$0x15] =	wrdreg s29  }
0x27: {  	s20 =	sor.u32 s7, s17;
	s29 =	sor.u32 s7, s26;
	s10 =	sor.u32 s11, s26  }
0x28: {  	[dreg:$0x12] =	wrdreg s0;
	s0 =	sadd.s32 s1, s23;
	s21 =	sshrl.u32 s20, $0x3  }
0x29: {  	s23 =	sor.u32 s11, s31;
	s31 =	sor.u32 $0x60000, s6;
	[dreg:$0x13] =	wrdreg s0  }
0x2a: {  	s0 =	sshrl.u32 s12, $0x3;
	s20 =	sadd.s32 s5, s21;
	s25 =	sshrl.u32 s23, $0x3  }
0x2b: {  	s12 =	sor.u32 s11, s17;
	s16 =	sor.u32 s7, s31;
	s17 =	sshrl.u32 s10, $0x3  }
0x2c: {  	s26 =	sor.u32 s11, s31;
	s24 =	sadd.s32 s5, s0;
	s18 =	sadd.s32 s1, s25  }
0x2d: {  	s0 =	sshrl.u32 s29, $0x3;
	s12 =	sshrl.u32 s12, $0x3;
	s29 =	sshrl.u32 s26, $0x3  }
0x2e: {  	s23 =	sadd.s32 s5, s0;
	s15 =	sadd.s32 s1, s12;
	s0 =	sshrl.u32 s16, $0x3  }
0x2f: {  	s12 =	sor.u32 $0x68000, s6;
	s16 =	sadd.s32 s1, s17;
	s10 =	sadd.s32 s1, s29  }
0x30: {  	s19 =	sadd.s32 s5, s0;
	s21 =	sor.u32 s7, s12;
	s12 =	sor.u32 s11, s12  }
0x31: {  	s25 =	sshrl.u32 s21, $0x3;
	s21 =	sor.u32 $0x70000, s6;
	s12 =	sshrl.u32 s12, $0x3  }
0x32: {  	s13 =	sadd.s32 s5, s25;
	s31 =	sor.u32 s7, s21;
	s25 =	sor.u32 $0x78000, s6  }
0x33: {  	s6 =	sadd.s32 s1, s12;
	s21 =	sor.u32 s11, s21;
	s0 =	sshrl.u32 s31, $0x3  }
0x34: {  	s12 =	sor.u32 s7, s25;
	s25 =	sor.u32 s11, s25;
	s31 =	smax.u32 s8, $0x1  }
0x35: {  	s26 =	sshrl.u32 s21, $0x3;
	s21 =	sshrl.u32 s14, $0x3;
	p1 =	sne.s32 s31, $0x1  }
.Ltmp0:
0x36: {  	s8 =	simm.s32 $0x4;
	s14 =	simm.s32 $0x5;
	(pc) =	sbr.rel @!p1 .LBB2_5-.Ltmp0, $4  }
0x37: {  	s17 =	sadd.s32 s5, s0;
	s0 =	sshrl.u32 s12, $0x3;
	s29 =	sshrl.u32 s25, $0x3  }
0x38: {  	s7 =	sadd.s32 s1, s26;
	s25 =	sshrl.u32 s9, $0x3;
	s12 =	simm.s32 $0x1  }
0x39: {  	s26 =	simm.s32 $0x3;
	s9 =	simm.s32 $0x6;
	s11 =	sadd.s32 s5, s0  }
0x3a: {  	s5 =	sadd.s32 s1, s29;
	s1 =	sadd.s32 $0xFFFFFFFF, s31;
	s0 =	rddreg [dreg:$0x5]  }
0x3b: {  	s29 =	rddreg [dreg:$0x6]  }
0x3c: {  	[tilespmem:s2], [sflag:$0x1] =	stream.linear.gather [hbm4b:s0+s2], $0x8000, $0x38;
	[tilespmem:$0x18000] =	vst v63  }
0x3d: {  	[spmem:s25], [sflag:s3] =	dma.local [hbm:s29], $0x1000  }
0x3e: {  	_ =	swait.ge [sflag:s12], $0x8000  }
0x3f: {  	s0 =	rddreg [dreg:$0x7];
	[sflag:s12] =	ssyncset.done $0x0  }
0x40: {  	s29 =	sor.u32 $0x1C03, s4;
	s30 =	rddreg [dreg:$0x8];
	[sflag:s12] =	ssyncadd.s32 $0xFFFF8000  }
0x41: {  	[hbm4b:s0+s2] =	stream.linear.scatter [tilespmem:s2], [sflag:$0x4], $0x8000, $0x38;
	[tilespmem:$0x18000] =	vst v63  }
0x42: {  	[spmem:s21], [sflag:s29] =	dma.local [hbm:s30], $0x1000  }
0x43: {  	_ =	swait.ge [sflag:s28], $0x1000  }
0x44: {  	[sflag:s28] =	ssyncset.done $0x0  }
0x45: {  	s30 =	sor.u32 $0x1C05, s4;
	s0 =	rddreg [dreg:$0x9];
	[sflag:s28] =	ssyncadd.s32 $0xFFFFF000  }
0x46: {  	[hbm:s0], [sflag:s30] =	dma.local [spmem:s25], $0x1000  }
0x47: {  	_ =	swait.ge [sflag:s8], $0x8000  }
0x48: {  	[sflag:s8] =	ssyncset.done $0x0  }
0x49: {  	s0 =	rddreg [dreg:$0xa];
	[sflag:s8] =	ssyncadd.s32 $0xFFFF8000  }
0x4a: {  	[tilespmem:s2], [sflag:$0x1] =	stream.linear.gather [hbm4b:s0+s2], $0x8000, $0x38;
	[tilespmem:$0x18000] =	vst v63  }
0x4b: {  	_ =	swait.ge [sflag:s26], $0x1000  }
0x4c: {  	[sflag:s26] =	ssyncset.done $0x0  }
0x4d: {  	s31 =	sor.u32 $0x1C06, s4;
	s0 =	rddreg [dreg:$0xb];
	[sflag:s26] =	ssyncadd.s32 $0xFFFFF000  }
0x4e: {  	[hbm:s0], [sflag:s31] =	dma.local [spmem:s21], $0x1000  }
0x4f: {  	_ =	swait.ge [sflag:s14], $0x1000  }
0x50: {  	[sflag:s14] =	ssyncset.done $0x0  }
0x51: {  	s4 =	rddreg [dreg:$0xc];
	[sflag:s14] =	ssyncadd.s32 $0xFFFFF000  }
0x52: {  	[spmem:s25], [sflag:s3] =	dma.local [hbm:s4], $0x1000  }
0x53: {  	_ =	swait.ge [sflag:s12], $0x8000  }
0x54: {  	[sflag:s12] =	ssyncset.done $0x0  }
0x55: {  	s4 =	rddreg [dreg:$0xd];
	[sflag:s12] =	ssyncadd.s32 $0xFFFF8000  }
0x56: {  	[hbm4b:s4+s2] =	stream.linear.scatter [tilespmem:s2], [sflag:$0x4], $0x8000, $0x38;
	[tilespmem:$0x18000] =	vst v63  }
0x57: {  	_ =	swait.ge [sflag:s9], $0x1000  }
0x58: {  	[sflag:s9] =	ssyncset.done $0x0  }
0x59: {  	s4 =	rddreg [dreg:$0xe];
	[sflag:s9] =	ssyncadd.s32 $0xFFFFF000  }
0x5a: {  	[spmem:s21], [sflag:s29] =	dma.local [hbm:s4], $0x1000  }
0x5b: {  	_ =	swait.ge [sflag:s28], $0x1000  }
0x5c: {  	[sflag:s28] =	ssyncset.done $0x0  }
0x5d: {  	s4 =	rddreg [dreg:$0xf];
	[sflag:s28] =	ssyncadd.s32 $0xFFFFF000  }
0x5e: {  	[hbm:s4], [sflag:s30] =	dma.local [spmem:s25], $0x1000  }
0x5f: {  	_ =	swait.ge [sflag:s8], $0x8000  }
0x60: {  	[sflag:s8] =	ssyncset.done $0x0  }
0x61: {  	s4 =	rddreg [dreg:$0x10];
	[sflag:s8] =	ssyncadd.s32 $0xFFFF8000  }
0x62: {  	[tilespmem:s2], [sflag:$0x1] =	stream.linear.gather [hbm4b:s4+s2], $0x8000, $0x38;
	[tilespmem:$0x18000] =	vst v63  }
0x63: {  	_ =	swait.ge [sflag:s26], $0x1000  }
0x64: {  	[sflag:s26] =	ssyncset.done $0x0  }
0x65: {  	s4 =	rddreg [dreg:$0x11];
	[sflag:s26] =	ssyncadd.s32 $0xFFFFF000  }
0x66: {  	[hbm:s4], [sflag:s31] =	dma.local [spmem:s21], $0x1000  }
0x67: {  	_ =	swait.ge [sflag:s14], $0x1000  }
0x68: {  	[sflag:s14] =	ssyncset.done $0x0  }
0x69: {  	s4 =	rddreg [dreg:$0x12];
	[sflag:s14] =	ssyncadd.s32 $0xFFFFF000  }
0x6a: {  	[spmem:s25], [sflag:s3] =	dma.local [hbm:s4], $0x1000  }
0x6b: {  	_ =	swait.ge [sflag:s12], $0x8000  }
0x6c: {  	[sflag:s12] =	ssyncset.done $0x0  }
0x6d: {  	s4 =	rddreg [dreg:$0x13];
	[sflag:s12] =	ssyncadd.s32 $0xFFFF8000  }
0x6e: {  	[hbm4b:s4+s2] =	stream.linear.scatter [tilespmem:s2], [sflag:$0x4], $0x8000, $0x38;
	[tilespmem:$0x18000] =	vst v63  }
0x6f: {  	_ =	swait.ge [sflag:s9], $0x1000  }
0x70: {  	[sflag:s9] =	ssyncset.done $0x0  }
0x71: {  	s4 =	rddreg [dreg:$0x14];
	[sflag:s9] =	ssyncadd.s32 $0xFFFFF000  }
0x72: {  	[spmem:s21], [sflag:s29] =	dma.local [hbm:s4], $0x1000  }
0x73: {  	_ =	swait.ge [sflag:s28], $0x1000  }
0x74: {  	[sflag:s28] =	ssyncset.done $0x0  }
0x75: {  	s4 =	rddreg [dreg:$0x15];
	[sflag:s28] =	ssyncadd.s32 $0xFFFFF000  }
0x76: {  	[hbm:s4], [sflag:s30] =	dma.local [spmem:s25], $0x1000  }
0x77: {  	_ =	swait.ge [sflag:s8], $0x8000  }
0x78: {  	[sflag:s8] =	ssyncset.done $0x0  }
0x79: {  	[sflag:s8] =	ssyncadd.s32 $0xFFFF8000  }
0x7a: {  	[tilespmem:s2], [sflag:$0x1] =	stream.linear.gather [hbm4b:s24+s2], $0x8000, $0x38;
	[tilespmem:$0x18000] =	vst v63  }
0x7b: {  	_ =	swait.ge [sflag:s26], $0x1000  }
0x7c: {  	[sflag:s26] =	ssyncset.done $0x0  }
0x7d: {  	[sflag:s26] =	ssyncadd.s32 $0xFFFFF000  }
0x7e: {  	[hbm:s22], [sflag:s31] =	dma.local [spmem:s21], $0x1000  }
0x7f: {  	_ =	swait.ge [sflag:s14], $0x1000  }
0x80: {  	[sflag:s14] =	ssyncset.done $0x0  }
0x81: {  	[sflag:s14] =	ssyncadd.s32 $0xFFFFF000  }
0x82: {  	[spmem:s25], [sflag:s3] =	dma.local [hbm:s20], $0x1000  }
0x83: {  	_ =	swait.ge [sflag:s12], $0x8000  }
0x84: {  	[sflag:s12] =	ssyncset.done $0x0  }
0x85: {  	[sflag:s12] =	ssyncadd.s32 $0xFFFF8000  }
0x86: {  	[hbm4b:s18+s2] =	stream.linear.scatter [tilespmem:s2], [sflag:$0x4], $0x8000, $0x38;
	[tilespmem:$0x18000] =	vst v63  }
0x87: {  	_ =	swait.ge [sflag:s9], $0x1000  }
0x88: {  	[sflag:s9] =	ssyncset.done $0x0  }
0x89: {  	[sflag:s9] =	ssyncadd.s32 $0xFFFFF000  }
0x8a: {  	[spmem:s21], [sflag:s29] =	dma.local [hbm:s23], $0x1000  }
0x8b: {  	_ =	swait.ge [sflag:s28], $0x1000  }
0x8c: {  	[sflag:s28] =	ssyncset.done $0x0  }
0x8d: {  	[sflag:s28] =	ssyncadd.s32 $0xFFFFF000  }
0x8e: {  	[hbm:s15], [sflag:s30] =	dma.local [spmem:s25], $0x1000  }
0x8f: {  	_ =	swait.ge [sflag:s8], $0x8000  }
0x90: {  	[sflag:s8] =	ssyncset.done $0x0  }
0x91: {  	[sflag:s8] =	ssyncadd.s32 $0xFFFF8000  }
0x92: {  	[tilespmem:s2], [sflag:$0x1] =	stream.linear.gather [hbm4b:s19+s2], $0x8000, $0x38;
	[tilespmem:$0x18000] =	vst v63  }
0x93: {  	_ =	swait.ge [sflag:s26], $0x1000  }
0x94: {  	[sflag:s26] =	ssyncset.done $0x0  }
0x95: {  	[sflag:s26] =	ssyncadd.s32 $0xFFFFF000  }
0x96: {  	[hbm:s16], [sflag:s31] =	dma.local [spmem:s21], $0x1000  }
0x97: {  	_ =	swait.ge [sflag:s14], $0x1000  }
0x98: {  	[sflag:s14] =	ssyncset.done $0x0  }
0x99: {  	[sflag:s14] =	ssyncadd.s32 $0xFFFFF000  }
0x9a: {  	[spmem:s25], [sflag:s3] =	dma.local [hbm:s13], $0x1000  }
0x9b: {  	_ =	swait.ge [sflag:s12], $0x8000  }
0x9c: {  	[sflag:s12] =	ssyncset.done $0x0  }
0x9d: {  	[sflag:s12] =	ssyncadd.s32 $0xFFFF8000  }
0x9e: {  	[hbm4b:s10+s2] =	stream.linear.scatter [tilespmem:s2], [sflag:$0x4], $0x8000, $0x38;
	[tilespmem:$0x18000] =	vst v63  }
0x9f: {  	_ =	swait.ge [sflag:s9], $0x1000  }
0xa0: {  	[sflag:s9] =	ssyncset.done $0x0  }
0xa1: {  	[sflag:s9] =	ssyncadd.s32 $0xFFFFF000  }
0xa2: {  	[spmem:s21], [sflag:s29] =	dma.local [hbm:s17], $0x1000  }
0xa3: {  	_ =	swait.ge [sflag:s28], $0x1000  }
0xa4: {  	[sflag:s28] =	ssyncset.done $0x0  }
0xa5: {  	[sflag:s28] =	ssyncadd.s32 $0xFFFFF000  }
0xa6: {  	[hbm:s6], [sflag:s30] =	dma.local [spmem:s25], $0x1000  }
0xa7: {  	_ =	swait.ge [sflag:s8], $0x8000  }
0xa8: {  	[sflag:s8] =	ssyncset.done $0x0  }
0xa9: {  	[sflag:s8] =	ssyncadd.s32 $0xFFFF8000  }
0xaa: {  	[tilespmem:s2], [sflag:$0x1] =	stream.linear.gather [hbm4b:s11+s2], $0x8000, $0x38;
	[tilespmem:$0x18000] =	vst v63  }
0xab: {  	_ =	swait.ge [sflag:s26], $0x1000  }
0xac: {  	[sflag:s26] =	ssyncset.done $0x0  }
0xad: {  	[sflag:s26] =	ssyncadd.s32 $0xFFFFF000  }
0xae: {  	[hbm:s7], [sflag:s31] =	dma.local [spmem:s21], $0x1000  }
0xaf: {  	_ =	swait.ge [sflag:s12], $0x8000  }
0xb0: {  	[sflag:s12] =	ssyncset.done $0x0  }
0xb1: {  	[sflag:s12] =	ssyncadd.s32 $0xFFFF8000  }
0xb2: {  	[hbm4b:s5+s2] =	stream.linear.scatter [tilespmem:s2], [sflag:$0x4], $0x8000, $0x38;
	[tilespmem:$0x18000] =	vst v63  }
0xb3: {  	_ =	swait.ge [sflag:s8], $0x8000  }
0xb4: {  	[sflag:s8] =	ssyncset.done $0x0  }
0xb5: {  	p1 =	sne.s32 s1, $0x1;
	[sflag:s8] =	ssyncadd.s32 $0xFFFF8000  }
.Ltmp1:
0xb6: {  	_ =	swait.ge [sflag:s14], $0x1000;
	(pc) =	sbr.rel @!p1 .LBB2_2-.Ltmp1, $4  }
0xb7: {  	[sflag:s14] =	ssyncset.done $0x0  }
0xb8: {  	[sflag:s14] =	ssyncadd.s32 $0xFFFFF000  }
0xb9: {  	s1 =	sadd.s32 $0xFFFFFFFF, s1;
	_ =	swait.ge [sflag:s9], $0x1000  }
0xba: {  	p0 =	por $0x1, $0x1;
	s0 =	rddreg [dreg:$0x5];
	[sflag:s9] =	ssyncset.done $0x0  }
.LBB2_3:
0xbb: {  	s4 =	rddreg [dreg:$0x6];
	[sflag:s9] =	ssyncadd.s32 $0xFFFFF000  }
0xbc: {  	[tilespmem:s2], [sflag:$0x1] =	stream.linear.gather [hbm4b:s0+s2], $0x8000, $0x38;
	[tilespmem:$0x18000] =	vst v63  }
0xbd: {  	[spmem:s25], [sflag:s3] =	dma.local [hbm:s4], $0x1000  }
0xbe: {  	_ =	swait.ge [sflag:s12], $0x8000  }
0xbf: {  	s0 =	rddreg [dreg:$0x7];
	[sflag:s12] =	ssyncset.done $0x0  }
0xc0: {  	s4 =	rddreg [dreg:$0x8];
	[sflag:s12] =	ssyncadd.s32 $0xFFFF8000  }
0xc1: {  	[hbm4b:s0+s2] =	stream.linear.scatter [tilespmem:s2], [sflag:$0x4], $0x8000, $0x38;
	[tilespmem:$0x18000] =	vst v63  }
0xc2: {  	[spmem:s21], [sflag:s29] =	dma.local [hbm:s4], $0x1000  }
0xc3: {  	_ =	swait.ge [sflag:s28], $0x1000  }
0xc4: {  	[sflag:s28] =	ssyncset.done $0x0  }
0xc5: {  	s4 =	rddreg [dreg:$0x9];
	[sflag:s28] =	ssyncadd.s32 $0xFFFFF000  }
0xc6: {  	[hbm:s4], [sflag:s30] =	dma.local [spmem:s25], $0x1000  }
0xc7: {  	_ =	swait.ge [sflag:s8], $0x8000  }
0xc8: {  	[sflag:s8] =	ssyncset.done $0x0  }
0xc9: {  	s4 =	rddreg [dreg:$0xa];
	[sflag:s8] =	ssyncadd.s32 $0xFFFF8000  }
0xca: {  	[tilespmem:s2], [sflag:$0x1] =	stream.linear.gather [hbm4b:s4+s2], $0x8000, $0x38;
	[tilespmem:$0x18000] =	vst v63  }
0xcb: {  	_ =	swait.ge [sflag:s26], $0x1000  }
0xcc: {  	[sflag:s26] =	ssyncset.done $0x0  }
0xcd: {  	s4 =	rddreg [dreg:$0xb];
	[sflag:s26] =	ssyncadd.s32 $0xFFFFF000  }
0xce: {  	[hbm:s4], [sflag:s31] =	dma.local [spmem:s21], $0x1000  }
0xcf: {  	_ =	swait.ge [sflag:s14], $0x1000  }
0xd0: {  	[sflag:s14] =	ssyncset.done $0x0  }
0xd1: {  	s4 =	rddreg [dreg:$0xc];
	[sflag:s14] =	ssyncadd.s32 $0xFFFFF000  }
0xd2: {  	[spmem:s25], [sflag:s3] =	dma.local [hbm:s4], $0x1000  }
0xd3: {  	_ =	swait.ge [sflag:s12], $0x8000  }
0xd4: {  	[sflag:s12] =	ssyncset.done $0x0  }
0xd5: {  	s4 =	rddreg [dreg:$0xd];
	[sflag:s12] =	ssyncadd.s32 $0xFFFF8000  }
0xd6: {  	[hbm4b:s4+s2] =	stream.linear.scatter [tilespmem:s2], [sflag:$0x4], $0x8000, $0x38;
	[tilespmem:$0x18000] =	vst v63  }
0xd7: {  	_ =	swait.ge [sflag:s9], $0x1000  }
0xd8: {  	[sflag:s9] =	ssyncset.done $0x0  }
0xd9: {  	s4 =	rddreg [dreg:$0xe];
	[sflag:s9] =	ssyncadd.s32 $0xFFFFF000  }
0xda: {  	[spmem:s21], [sflag:s29] =	dma.local [hbm:s4], $0x1000  }
0xdb: {  	_ =	swait.ge [sflag:s28], $0x1000  }
0xdc: {  	[sflag:s28] =	ssyncset.done $0x0  }
0xdd: {  	s4 =	rddreg [dreg:$0xf];
	[sflag:s28] =	ssyncadd.s32 $0xFFFFF000  }
0xde: {  	[hbm:s4], [sflag:s30] =	dma.local [spmem:s25], $0x1000  }
0xdf: {  	_ =	swait.ge [sflag:s8], $0x8000  }
0xe0: {  	[sflag:s8] =	ssyncset.done $0x0  }
0xe1: {  	s4 =	rddreg [dreg:$0x10];
	[sflag:s8] =	ssyncadd.s32 $0xFFFF8000  }
0xe2: {  	[tilespmem:s2], [sflag:$0x1] =	stream.linear.gather [hbm4b:s4+s2], $0x8000, $0x38;
	[tilespmem:$0x18000] =	vst v63  }
0xe3: {  	_ =	swait.ge [sflag:s26], $0x1000  }
0xe4: {  	[sflag:s26] =	ssyncset.done $0x0  }
0xe5: {  	s4 =	rddreg [dreg:$0x11];
	[sflag:s26] =	ssyncadd.s32 $0xFFFFF000  }
0xe6: {  	[hbm:s4], [sflag:s31] =	dma.local [spmem:s21], $0x1000  }
0xe7: {  	_ =	swait.ge [sflag:s14], $0x1000  }
0xe8: {  	[sflag:s14] =	ssyncset.done $0x0  }
0xe9: {  	s4 =	rddreg [dreg:$0x12];
	[sflag:s14] =	ssyncadd.s32 $0xFFFFF000  }
0xea: {  	[spmem:s25], [sflag:s3] =	dma.local [hbm:s4], $0x1000  }
0xeb: {  	_ =	swait.ge [sflag:s12], $0x8000  }
0xec: {  	[sflag:s12] =	ssyncset.done $0x0  }
0xed: {  	s4 =	rddreg [dreg:$0x13];
	[sflag:s12] =	ssyncadd.s32 $0xFFFF8000  }
0xee: {  	[hbm4b:s4+s2] =	stream.linear.scatter [tilespmem:s2], [sflag:$0x4], $0x8000, $0x38;
	[tilespmem:$0x18000] =	vst v63  }
0xef: {  	_ =	swait.ge [sflag:s9], $0x1000  }
0xf0: {  	[sflag:s9] =	ssyncset.done $0x0  }
0xf1: {  	s4 =	rddreg [dreg:$0x14];
	[sflag:s9] =	ssyncadd.s32 $0xFFFFF000  }
0xf2: {  	[spmem:s21], [sflag:s29] =	dma.local [hbm:s4], $0x1000  }
0xf3: {  	_ =	swait.ge [sflag:s28], $0x1000  }
0xf4: {  	[sflag:s28] =	ssyncset.done $0x0  }
0xf5: {  	s4 =	rddreg [dreg:$0x15];
	[sflag:s28] =	ssyncadd.s32 $0xFFFFF000  }
0xf6: {  	[hbm:s4], [sflag:s30] =	dma.local [spmem:s25], $0x1000  }
0xf7: {  	_ =	swait.ge [sflag:s8], $0x8000  }
0xf8: {  	[sflag:s8] =	ssyncset.done $0x0  }
0xf9: {  	[sflag:s8] =	ssyncadd.s32 $0xFFFF8000  }
0xfa: {  	[tilespmem:s2], [sflag:$0x1] =	stream.linear.gather [hbm4b:s24+s2], $0x8000, $0x38;
	[tilespmem:$0x18000] =	vst v63  }
0xfb: {  	_ =	swait.ge [sflag:s26], $0x1000  }
0xfc: {  	[sflag:s26] =	ssyncset.done $0x0  }
0xfd: {  	[sflag:s26] =	ssyncadd.s32 $0xFFFFF000  }
0xfe: {  	[hbm:s22], [sflag:s31] =	dma.local [spmem:s21], $0x1000  }
0xff: {  	_ =	swait.ge [sflag:s14], $0x1000  }
0x100: {  	[sflag:s14] =	ssyncset.done $0x0  }
0x101: {  	[sflag:s14] =	ssyncadd.s32 $0xFFFFF000  }
0x102: {  	[spmem:s25], [sflag:s3] =	dma.local [hbm:s20], $0x1000  }
0x103: {  	_ =	swait.ge [sflag:s12], $0x8000  }
0x104: {  	[sflag:s12] =	ssyncset.done $0x0  }
0x105: {  	[sflag:s12] =	ssyncadd.s32 $0xFFFF8000  }
0x106: {  	[hbm4b:s18+s2] =	stream.linear.scatter [tilespmem:s2], [sflag:$0x4], $0x8000, $0x38;
	[tilespmem:$0x18000] =	vst v63  }
0x107: {  	_ =	swait.ge [sflag:s9], $0x1000  }
0x108: {  	[sflag:s9] =	ssyncset.done $0x0  }
0x109: {  	[sflag:s9] =	ssyncadd.s32 $0xFFFFF000  }
0x10a: {  	[spmem:s21], [sflag:s29] =	dma.local [hbm:s23], $0x1000  }
0x10b: {  	_ =	swait.ge [sflag:s28], $0x1000  }
0x10c: {  	[sflag:s28] =	ssyncset.done $0x0  }
0x10d: {  	[sflag:s28] =	ssyncadd.s32 $0xFFFFF000  }
0x10e: {  	[hbm:s15], [sflag:s30] =	dma.local [spmem:s25], $0x1000  }
0x10f: {  	_ =	swait.ge [sflag:s8], $0x8000  }
0x110: {  	[sflag:s8] =	ssyncset.done $0x0  }
0x111: {  	[sflag:s8] =	ssyncadd.s32 $0xFFFF8000  }
0x112: {  	[tilespmem:s2], [sflag:$0x1] =	stream.linear.gather [hbm4b:s19+s2], $0x8000, $0x38;
	[tilespmem:$0x18000] =	vst v63  }
0x113: {  	_ =	swait.ge [sflag:s26], $0x1000  }
0x114: {  	[sflag:s26] =	ssyncset.done $0x0  }
0x115: {  	[sflag:s26] =	ssyncadd.s32 $0xFFFFF000  }
0x116: {  	[hbm:s16], [sflag:s31] =	dma.local [spmem:s21], $0x1000  }
0x117: {  	_ =	swait.ge [sflag:s14], $0x1000  }
0x118: {  	[sflag:s14] =	ssyncset.done $0x0  }
0x119: {  	[sflag:s14] =	ssyncadd.s32 $0xFFFFF000  }
0x11a: {  	[spmem:s25], [sflag:s3] =	dma.local [hbm:s13], $0x1000  }
0x11b: {  	_ =	swait.ge [sflag:s12], $0x8000  }
0x11c: {  	[sflag:s12] =	ssyncset.done $0x0  }
0x11d: {  	[sflag:s12] =	ssyncadd.s32 $0xFFFF8000  }
0x11e: {  	[hbm4b:s10+s2] =	stream.linear.scatter [tilespmem:s2], [sflag:$0x4], $0x8000, $0x38;
	[tilespmem:$0x18000] =	vst v63  }
0x11f: {  	_ =	swait.ge [sflag:s9], $0x1000  }
0x120: {  	[sflag:s9] =	ssyncset.done $0x0  }
0x121: {  	[sflag:s9] =	ssyncadd.s32 $0xFFFFF000  }
0x122: {  	[spmem:s21], [sflag:s29] =	dma.local [hbm:s17], $0x1000  }
0x123: {  	_ =	swait.ge [sflag:s28], $0x1000  }
0x124: {  	[sflag:s28] =	ssyncset.done $0x0  }
0x125: {  	[sflag:s28] =	ssyncadd.s32 $0xFFFFF000  }
0x126: {  	[hbm:s6], [sflag:s30] =	dma.local [spmem:s25], $0x1000  }
0x127: {  	_ =	swait.ge [sflag:s8], $0x8000  }
0x128: {  	[sflag:s8] =	ssyncset.done $0x0  }
0x129: {  	[sflag:s8] =	ssyncadd.s32 $0xFFFF8000  }
0x12a: {  	[tilespmem:s2], [sflag:$0x1] =	stream.linear.gather [hbm4b:s11+s2], $0x8000, $0x38;
	[tilespmem:$0x18000] =	vst v63  }
0x12b: {  	_ =	swait.ge [sflag:s26], $0x1000  }
0x12c: {  	[sflag:s26] =	ssyncset.done $0x0  }
0x12d: {  	[sflag:s26] =	ssyncadd.s32 $0xFFFFF000  }
0x12e: {  	[hbm:s7], [sflag:s31] =	dma.local [spmem:s21], $0x1000  }
0x12f: {  	_ =	swait.ge [sflag:s12], $0x8000  }
0x130: {  	[sflag:s12] =	ssyncset.done $0x0  }
0x131: {  	[sflag:s12] =	ssyncadd.s32 $0xFFFF8000  }
0x132: {  	[hbm4b:s5+s2] =	stream.linear.scatter [tilespmem:s2], [sflag:$0x4], $0x8000, $0x38;
	[tilespmem:$0x18000] =	vst v63  }
0x133: {  	_ =	swait.ge [sflag:s8], $0x8000  }
0x134: {  	[sflag:s8] =	ssyncset.done $0x0  }
0x135: {  	p1 =	sne.s32 s1, $0x1;
	[sflag:s8] =	ssyncadd.s32 $0xFFFF8000  }
.Ltmp2:
0x136: {  	_ =	swait.ge [sflag:s14], $0x1000;
	(pc) =	sbr.rel @p1 .LBB2_3-.Ltmp2, $4  }
0x137: {  	[sflag:s14] =	ssyncset.done $0x0  }
0x138: {  	[sflag:s14] =	ssyncadd.s32 $0xFFFFF000  }
0x139: {  	_ =	swait.ge [sflag:s9], $0x1000  }
0x13a: {  	s1 =	sadd.s32 $0xFFFFFFFF, s1;
	s0 =	rddreg [dreg:$0x5];
	[sflag:s9] =	ssyncset.done $0x0  }
0x13b: {  	s30 =	stileid.u32  }
.LBB2_5:
0x13c: {  	s1 =	rddreg [dreg:$0x6];
	[sflag:s9] =	ssyncadd.s32 @p0 $0xFFFFF000  }
0x13d: {  	[tilespmem:s2], [sflag:$0x1] =	stream.linear.gather [hbm4b:s0+s2], $0x8000, $0x38;
	[tilespmem:$0x18000] =	vst v63  }
0x13e: {  	[spmem:s25], [sflag:s3] =	dma.local [hbm:s1], $0x1000  }
0x13f: {  	_ =	swait.ge [sflag:s12], $0x8000  }
0x140: {  	s1 =	rddreg [dreg:$0x7];
	[sflag:s12] =	ssyncset.done $0x0  }
0x141: {  	s31 =	rddreg [dreg:$0x16];
	[sflag:s12] =	ssyncadd.s32 $0xFFFF8000  }
0x142: {  	[hbm4b:s1+s2] =	stream.linear.scatter [tilespmem:s2], [sflag:$0x4], $0x8000, $0x38;
	[tilespmem:$0x18000] =	vst v63  }
0x143: {  	s4 =	rddreg [dreg:$0x8];
	s1 =	sor.u32 $0x1C03, s31  }
0x144: {  	[spmem:s21], [sflag:s1] =	dma.local [hbm:s4], $0x1000  }
0x145: {  	_ =	swait.ge [sflag:s28], $0x1000  }
0x146: {  	[sflag:s28] =	ssyncset.done $0x0  }
0x147: {  	s29 =	sor.u32 $0x1C05, s31;
	s4 =	rddreg [dreg:$0x9];
	[sflag:s28] =	ssyncadd.s32 $0xFFFFF000  }
0x148: {  	[hbm:s4], [sflag:s29] =	dma.local [spmem:s25], $0x1000  }
0x149: {  	_ =	swait.ge [sflag:s8], $0x8000  }
0x14a: {  	[sflag:s8] =	ssyncset.done $0x0  }
0x14b: {  	s4 =	rddreg [dreg:$0xa];
	[sflag:s8] =	ssyncadd.s32 $0xFFFF8000  }
0x14c: {  	[tilespmem:s2], [sflag:$0x1] =	stream.linear.gather [hbm4b:s4+s2], $0x8000, $0x38;
	[tilespmem:$0x18000] =	vst v63  }
0x14d: {  	_ =	swait.ge [sflag:s26], $0x1000  }
0x14e: {  	[sflag:s26] =	ssyncset.done $0x0  }
0x14f: {  	s4 =	sor.u32 $0x1C06, s31;
	s0 =	rddreg [dreg:$0xb];
	[sflag:s26] =	ssyncadd.s32 $0xFFFFF000  }
0x150: {  	[hbm:s0], [sflag:s4] =	dma.local [spmem:s21], $0x1000  }
0x151: {  	_ =	swait.ge [sflag:s14], $0x1000  }
0x152: {  	[sflag:s14] =	ssyncset.done $0x0  }
0x153: {  	s31 =	rddreg [dreg:$0xc];
	[sflag:s14] =	ssyncadd.s32 $0xFFFFF000  }
0x154: {  	[spmem:s25], [sflag:s3] =	dma.local [hbm:s31], $0x1000  }
0x155: {  	_ =	swait.ge [sflag:s12], $0x8000  }
0x156: {  	[sflag:s12] =	ssyncset.done $0x0  }
0x157: {  	s31 =	rddreg [dreg:$0xd];
	[sflag:s12] =	ssyncadd.s32 $0xFFFF8000  }
0x158: {  	[hbm4b:s31+s2] =	stream.linear.scatter [tilespmem:s2], [sflag:$0x4], $0x8000, $0x38;
	[tilespmem:$0x18000] =	vst v63  }
0x159: {  	_ =	swait.ge [sflag:s9], $0x1000  }
0x15a: {  	[sflag:s9] =	ssyncset.done $0x0  }
0x15b: {  	s31 =	rddreg [dreg:$0xe];
	[sflag:s9] =	ssyncadd.s32 $0xFFFFF000  }
0x15c: {  	[spmem:s21], [sflag:s1] =	dma.local [hbm:s31], $0x1000  }
0x15d: {  	_ =	swait.ge [sflag:s28], $0x1000  }
0x15e: {  	[sflag:s28] =	ssyncset.done $0x0  }
0x15f: {  	s31 =	rddreg [dreg:$0xf];
	[sflag:s28] =	ssyncadd.s32 $0xFFFFF000  }
0x160: {  	[hbm:s31], [sflag:s29] =	dma.local [spmem:s25], $0x1000  }
0x161: {  	_ =	swait.ge [sflag:s8], $0x8000  }
0x162: {  	[sflag:s8] =	ssyncset.done $0x0  }
0x163: {  	s31 =	rddreg [dreg:$0x10];
	[sflag:s8] =	ssyncadd.s32 $0xFFFF8000  }
0x164: {  	[tilespmem:s2], [sflag:$0x1] =	stream.linear.gather [hbm4b:s31+s2], $0x8000, $0x38;
	[tilespmem:$0x18000] =	vst v63  }
0x165: {  	_ =	swait.ge [sflag:s26], $0x1000  }
0x166: {  	[sflag:s26] =	ssyncset.done $0x0  }
0x167: {  	s31 =	rddreg [dreg:$0x11];
	[sflag:s26] =	ssyncadd.s32 $0xFFFFF000  }
0x168: {  	[hbm:s31], [sflag:s4] =	dma.local [spmem:s21], $0x1000  }
0x169: {  	_ =	swait.ge [sflag:s14], $0x1000  }
0x16a: {  	[sflag:s14] =	ssyncset.done $0x0  }
0x16b: {  	s31 =	rddreg [dreg:$0x12];
	[sflag:s14] =	ssyncadd.s32 $0xFFFFF000  }
0x16c: {  	[spmem:s25], [sflag:s3] =	dma.local [hbm:s31], $0x1000  }
0x16d: {  	_ =	swait.ge [sflag:s12], $0x8000  }
0x16e: {  	[sflag:s12] =	ssyncset.done $0x0  }
0x16f: {  	s31 =	rddreg [dreg:$0x13];
	[sflag:s12] =	ssyncadd.s32 $0xFFFF8000  }
0x170: {  	[hbm4b:s31+s2] =	stream.linear.scatter [tilespmem:s2], [sflag:$0x4], $0x8000, $0x38;
	[tilespmem:$0x18000] =	vst v63  }
0x171: {  	_ =	swait.ge [sflag:s9], $0x1000  }
0x172: {  	[sflag:s9] =	ssyncset.done $0x0  }
0x173: {  	s31 =	rddreg [dreg:$0x14];
	[sflag:s9] =	ssyncadd.s32 $0xFFFFF000  }
0x174: {  	[spmem:s21], [sflag:s1] =	dma.local [hbm:s31], $0x1000  }
0x175: {  	_ =	swait.ge [sflag:s28], $0x1000  }
0x176: {  	[sflag:s28] =	ssyncset.done $0x0  }
0x177: {  	s31 =	rddreg [dreg:$0x15];
	[sflag:s28] =	ssyncadd.s32 $0xFFFFF000  }
0x178: {  	[hbm:s31], [sflag:s29] =	dma.local [spmem:s25], $0x1000  }
0x179: {  	_ =	swait.ge [sflag:s8], $0x8000  }
0x17a: {  	[sflag:s8] =	ssyncset.done $0x0  }
0x17b: {  	[sflag:s8] =	ssyncadd.s32 $0xFFFF8000  }
0x17c: {  	[tilespmem:s2], [sflag:$0x1] =	stream.linear.gather [hbm4b:s24+s2], $0x8000, $0x38;
	[tilespmem:$0x18000] =	vst v63  }
0x17d: {  	_ =	swait.ge [sflag:s26], $0x1000  }
0x17e: {  	[sflag:s26] =	ssyncset.done $0x0  }
0x17f: {  	[sflag:s26] =	ssyncadd.s32 $0xFFFFF000  }
0x180: {  	[hbm:s22], [sflag:s4] =	dma.local [spmem:s21], $0x1000  }
0x181: {  	_ =	swait.ge [sflag:s14], $0x1000  }
0x182: {  	[sflag:s14] =	ssyncset.done $0x0  }
0x183: {  	[sflag:s14] =	ssyncadd.s32 $0xFFFFF000  }
0x184: {  	[spmem:s25], [sflag:s3] =	dma.local [hbm:s20], $0x1000  }
0x185: {  	_ =	swait.ge [sflag:s12], $0x8000  }
0x186: {  	[sflag:s12] =	ssyncset.done $0x0  }
0x187: {  	[sflag:s12] =	ssyncadd.s32 $0xFFFF8000  }
0x188: {  	[hbm4b:s18+s2] =	stream.linear.scatter [tilespmem:s2], [sflag:$0x4], $0x8000, $0x38;
	[tilespmem:$0x18000] =	vst v63  }
0x189: {  	_ =	swait.ge [sflag:s9], $0x1000  }
0x18a: {  	[sflag:s9] =	ssyncset.done $0x0  }
0x18b: {  	[sflag:s9] =	ssyncadd.s32 $0xFFFFF000  }
0x18c: {  	[spmem:s21], [sflag:s1] =	dma.local [hbm:s23], $0x1000  }
0x18d: {  	_ =	swait.ge [sflag:s28], $0x1000  }
0x18e: {  	[sflag:s28] =	ssyncset.done $0x0  }
0x18f: {  	[sflag:s28] =	ssyncadd.s32 $0xFFFFF000  }
0x190: {  	[hbm:s15], [sflag:s29] =	dma.local [spmem:s25], $0x1000  }
0x191: {  	_ =	swait.ge [sflag:s8], $0x8000  }
0x192: {  	[sflag:s8] =	ssyncset.done $0x0  }
0x193: {  	[sflag:s8] =	ssyncadd.s32 $0xFFFF8000  }
0x194: {  	[tilespmem:s2], [sflag:$0x1] =	stream.linear.gather [hbm4b:s19+s2], $0x8000, $0x38;
	[tilespmem:$0x18000] =	vst v63  }
0x195: {  	_ =	swait.ge [sflag:s26], $0x1000  }
0x196: {  	[sflag:s26] =	ssyncset.done $0x0  }
0x197: {  	[sflag:s26] =	ssyncadd.s32 $0xFFFFF000  }
0x198: {  	[hbm:s16], [sflag:s4] =	dma.local [spmem:s21], $0x1000  }
0x199: {  	_ =	swait.ge [sflag:s14], $0x1000  }
0x19a: {  	[sflag:s14] =	ssyncset.done $0x0  }
0x19b: {  	[sflag:s14] =	ssyncadd.s32 $0xFFFFF000  }
0x19c: {  	[spmem:s25], [sflag:s3] =	dma.local [hbm:s13], $0x1000  }
0x19d: {  	_ =	swait.ge [sflag:s12], $0x8000  }
0x19e: {  	[sflag:s12] =	ssyncset.done $0x0  }
0x19f: {  	[sflag:s12] =	ssyncadd.s32 $0xFFFF8000  }
0x1a0: {  	[hbm4b:s10+s2] =	stream.linear.scatter [tilespmem:s2], [sflag:$0x4], $0x8000, $0x38;
	[tilespmem:$0x18000] =	vst v63  }
0x1a1: {  	_ =	swait.ge [sflag:s9], $0x1000  }
0x1a2: {  	[sflag:s9] =	ssyncset.done $0x0  }
0x1a3: {  	[sflag:s9] =	ssyncadd.s32 $0xFFFFF000  }
0x1a4: {  	[spmem:s21], [sflag:s1] =	dma.local [hbm:s17], $0x1000  }
0x1a5: {  	_ =	swait.ge [sflag:s28], $0x1000  }
0x1a6: {  	[sflag:s28] =	ssyncset.done $0x0  }
0x1a7: {  	[sflag:s28] =	ssyncadd.s32 $0xFFFFF000  }
0x1a8: {  	[hbm:s6], [sflag:s29] =	dma.local [spmem:s25], $0x1000  }
0x1a9: {  	_ =	swait.ge [sflag:s8], $0x8000  }
0x1aa: {  	[sflag:s8] =	ssyncset.done $0x0  }
0x1ab: {  	[sflag:s8] =	ssyncadd.s32 $0xFFFF8000  }
0x1ac: {  	[tilespmem:s2], [sflag:$0x1] =	stream.linear.gather [hbm4b:s11+s2], $0x8000, $0x38;
	[tilespmem:$0x18000] =	vst v63  }
0x1ad: {  	_ =	swait.ge [sflag:s26], $0x1000  }
0x1ae: {  	[sflag:s26] =	ssyncset.done $0x0  }
0x1af: {  	[sflag:s26] =	ssyncadd.s32 $0xFFFFF000  }
0x1b0: {  	[hbm:s7], [sflag:s4] =	dma.local [spmem:s21], $0x1000  }
0x1b1: {  	_ =	swait.ge [sflag:s12], $0x8000  }
0x1b2: {  	[sflag:s12] =	ssyncset.done $0x0  }
0x1b3: {  	[sflag:s12] =	ssyncadd.s32 $0xFFFF8000  }
0x1b4: {  	[hbm4b:s5+s2] =	stream.linear.scatter [tilespmem:s2], [sflag:$0x4], $0x8000, $0x38;
	[tilespmem:$0x18000] =	vst v63  }
0x1b5: {  	_ =	swait.ge [sflag:s8], $0x8000  }
0x1b6: {  	[sflag:s8] =	ssyncset.done $0x0  }
0x1b7: {  	[sflag:s8] =	ssyncadd.s32 $0xFFFF8000  }
0x1b8: {  	_ =	swait.ge [sflag:s14], $0x1000  }
0x1b9: {  	[sflag:s14] =	ssyncset.done $0x0  }
0x1ba: {  	[sflag:s14] =	ssyncadd.s32 $0xFFFFF000  }
0x1bb: {  	_ =	swait.ge [sflag:s9], $0x1000  }
0x1bc: {  	[sflag:s9] =	ssyncset.done $0x0  }
0x1bd: {  	[sflag:s9] =	ssyncadd.s32 $0xFFFFF000  }
0x1be: {  	_ =	sfence.sel $0x180000  }
0x1bf: {  	[bflag:$0x0] =	sbarrier.arrive $0xFFFF  }
0x1c0: {  	_ =	strace $0x90000047  }
0x1c1: {  	[bflag:$0x2] =	sbarrier.arrive $0xFFFF  }
0x1c2: {  	p0 =	sne.s32 s30, $0x0;
	s0 =	rddreg [dreg:$0x4]  }
0x1c3: {  	s0 =	sadd.s32 @!p0 $0x100000, s0  }
0x1c4: {  	[sflag:s0] =	ssyncadd.tile.s32 @!p0 $0x1;
	_ =	shalt  }
.LBB2_2:
.Ltmp3:
0x1c5: {  	(pc) =	sbr.rel .LBB2_5-.Ltmp3, $2  }
0x1c6: {  	_ =	sdelay $0x2  }
0x1c7: {  	s30 =	stileid.u32  }
.Lfunc_end2:
_tile_overlayer_lowered:
.L_overlay_start_2:
0x1c8: {  	(tag) =	ssettag $0x2  }
0x1c9: {  	s0 =	rddreg [dreg:$0x0];
	s2 =	stileid.u32  }
0x1ca: {  	s1 =	rddreg [dreg:$0x1];
	p0 =	sne.s32 s2, $0x0  }
0x1cb: {  	s3 =	rddreg [dreg:$0x2];
	[bflag:$0x3] =	sbarrier.arrive $0xFFFF;
	s2 =	simm.s32 @!p0 $0x1C07  }
0x1cc: {  	[timem:s3], [sflag:s2] =	dma.local @!p0 [hbm:s0], s1  }
0x1cd: {  	s0 =	simm.s32 @!p0 $0x7  }
0x1ce: {  	_ =	swait.ge @!p0 [sflag:s0], s1  }
0x1cf: {  	s1 =	ssub.s32 @!p0 $0x0, s1;
	[sflag:s0] =	ssyncset.done @!p0 $0x0  }
0x1d0: {  	[sflag:s0] =	ssyncadd.s32 @!p0 s1  }
0x1d1: {  	[bflag:$0x3] =	sbarrier.arrive $0xFFFF  }
0x1d2: {  	_ =	shalt  }

</sc_bundles>
